<compile_context>
chip_gen: v7x
topology: tpu7x:2x2x1
jax: 0.10.2.dev20260603
libtpu: 0.0.44.dev20260713+nightly
codegen_flags: <defaults>
</compile_context>

<pallas_src>
import jax
import jax.numpy as jnp
from jax import lax
from jax.experimental import pallas as pl
from jax.experimental.pallas import tpu as pltpu
from jax.experimental.pallas import tpu_sc as plsc

N = 10000
E = 320000
D = 128
L = 16
NC = 2
NS = 16
NW = NC * NS
NP = 10240
STRIPE = NP // NS
E_PER_W = E // NW
CPT = D // NW
CHUNK = 8000
SMASK = 0x3FFF


def _rsqrt_f32(x):
    xi = lax.bitcast_convert_type(x, jnp.int32)
    yi = 0x5F3759DF - lax.shift_right_arithmetic(xi, 1)
    y = lax.bitcast_convert_type(yi, jnp.float32)
    hx = 0.5 * x
    for _ in range(3):
        y = y * (1.5 - hx * y * y)
    return y


def _build_d(degb, d_v):
    @pl.loop(0, NP // L)
    def _(g):
        sl = pl.ds(g * L, L)
        deg = degb[0, sl] + degb[1, sl] + 1.0
        d_v[sl] = jnp.minimum(_rsqrt_f32(deg), 10000.0)


def _deg_kernel(dst_hbm, ew_hbm, degp_hbm, dst_v, ew_v, deg_l, shared, red_v,
                out_v):
    cid = lax.axis_index("c")
    sid = lax.axis_index("s")
    wid = cid * NS + sid

    zero16 = jnp.zeros((L,), jnp.float32)

    @pl.loop(0, NP // L)
    def _(i):
        deg_l[pl.ds(i * L, L)] = zero16

    pltpu.sync_copy(dst_hbm.at[wid], dst_v)
    pltpu.sync_copy(ew_hbm.at[wid], ew_v)

    @pl.loop(0, E_PER_W // L, unroll=4)
    def _(g):
        dv = dst_v[pl.ds(g * L, L)]
        wv = ew_v[pl.ds(g * L, L)]
        plsc.addupdate_scatter(deg_l, [dv], wv)

    pltpu.sync_copy(deg_l, shared.at[sid])
    plsc.subcore_barrier()

    base = sid * STRIPE
    pltpu.sync_copy(shared.at[:, pl.ds(base, STRIPE)], red_v)

    @pl.loop(0, STRIPE // L)
    def _(g):
        acc = red_v[0, pl.ds(g * L, L)]
        for t in range(1, NS):
            acc = acc + red_v[t, pl.ds(g * L, L)]
        out_v[pl.ds(g * L, L)] = acc

    pltpu.sync_copy(out_v, degp_hbm.at[cid, pl.ds(base, STRIPE)])


_deg_call = pl.kernel(
    _deg_kernel,
    out_type=jax.ShapeDtypeStruct((NC, NP), jnp.float32),
    mesh=plsc.VectorSubcoreMesh(core_axis_name="c", subcore_axis_name="s"),
    compiler_params=pltpu.CompilerParams(needs_layout_passes=False),
    scratch_types=[
        pltpu.VMEM((E_PER_W,), jnp.int32),
        pltpu.VMEM((E_PER_W,), jnp.float32),
        pltpu.VMEM((NP,), jnp.float32),
        pltpu.VMEM_SHARED((NS, NP), jnp.float32),
        pltpu.VMEM((NS, STRIPE), jnp.float32),
        pltpu.VMEM((STRIPE,), jnp.float32),
    ],
)


D2_STRIPE = NP // NW


def _norm_kernel(degp_hbm, spk_hbm, ew_hbm, norm_hbm, d2_hbm,
                 degb, d_v, spk_v, ew_v, nrm_v, d2_v):
    cid = lax.axis_index("c")
    sid = lax.axis_index("s")
    wid = cid * NS + sid

    pltpu.sync_copy(degp_hbm, degb)
    _build_d(degb, d_v)

    base = wid * D2_STRIPE

    @pl.loop(0, D2_STRIPE // L)
    def _(g):
        dv = d_v[pl.ds(base + g * L, L)]
        d2_v[pl.ds(g * L, L)] = dv * dv

    pltpu.sync_copy(d2_v, d2_hbm.at[pl.ds(base, D2_STRIPE)])

    pltpu.sync_copy(spk_hbm.at[pl.ds(wid * E_PER_W, E_PER_W)], spk_v)
    pltpu.sync_copy(ew_hbm.at[pl.ds(wid * E_PER_W, E_PER_W)], ew_v)

    @pl.loop(0, E_PER_W // L, unroll=4)
    def _(g):
        sl = pl.ds(g * L, L)
        p = spk_v[sl]
        s_v = p & SMASK
        t_v = lax.shift_right_logical(p, 14)
        nrm_v[sl] = plsc.load_gather(d_v, [s_v]) * ew_v[sl] \
            * plsc.load_gather(d_v, [t_v])

    pltpu.sync_copy(nrm_v, norm_hbm.at[pl.ds(wid * E_PER_W, E_PER_W)])


_norm_call = pl.kernel(
    _norm_kernel,
    out_type=(jax.ShapeDtypeStruct((E,), jnp.float32),
              jax.ShapeDtypeStruct((NP,), jnp.float32)),
    mesh=plsc.VectorSubcoreMesh(core_axis_name="c", subcore_axis_name="s"),
    compiler_params=pltpu.CompilerParams(needs_layout_passes=False),
    scratch_types=[
        pltpu.VMEM((NC, NP), jnp.float32),
        pltpu.VMEM((NP,), jnp.float32),
        pltpu.VMEM((E_PER_W,), jnp.int32),
        pltpu.VMEM((E_PER_W,), jnp.float32),
        pltpu.VMEM((E_PER_W,), jnp.float32),
        pltpu.VMEM((D2_STRIPE,), jnp.float32),
    ],
)


HMASK = -65536


def _unpack2(p):
    lo = lax.bitcast_convert_type(lax.shift_left(p, 16), jnp.float32)
    hi = lax.bitcast_convert_type(p & HMASK, jnp.float32)
    return lo, hi


def _agg_kernel(hpk_hbm, spk_hbm, nrm_hbm, d2_hbm, agg_hbm,
                hcp, agg, d2_v, spk_b, nrm_b):
    cid = lax.axis_index("c")
    sid = lax.axis_index("s")
    wid = cid * NS + sid

    pltpu.sync_copy(hpk_hbm.at[pl.ds(wid * 2 * NP, 2 * NP)], hcp)
    pltpu.sync_copy(d2_hbm, d2_v)

    @pl.loop(0, NP // L)
    def _(g):
        d2 = d2_v[pl.ds(g * L, L)]
        c0, c1 = _unpack2(hcp[pl.ds(g * L, L)])
        c2, c3 = _unpack2(hcp[pl.ds(NP + g * L, L)])
        agg[pl.ds(g * L, L)] = c0 * d2
        agg[pl.ds(NP + g * L, L)] = c1 * d2
        agg[pl.ds(2 * NP + g * L, L)] = c2 * d2
        agg[pl.ds(3 * NP + g * L, L)] = c3 * d2

    @pl.loop(0, E // CHUNK)
    def _(ch):
        off = ch * CHUNK
        pltpu.sync_copy(spk_hbm.at[pl.ds(off, CHUNK)], spk_b)
        pltpu.sync_copy(nrm_hbm.at[pl.ds(off, CHUNK)], nrm_b)

        @plsc.parallel_loop(0, CHUNK // L, unroll=8)
        def _(g):
            sl = pl.ds(g * L, L)
            p = spk_b[sl]
            s_v = p & SMASK
            t_v = lax.shift_right_logical(p, 14)
            nv = nrm_b[sl]
            g0 = plsc.load_gather(hcp, [s_v])
            g1 = plsc.load_gather(hcp, [s_v + NP])
            c0, c1 = _unpack2(g0)
            c2, c3 = _unpack2(g1)
            t1 = t_v + NP
            t2 = t1 + NP
            t3 = t2 + NP
            plsc.addupdate_scatter(agg, [t_v], c0 * nv)
            plsc.addupdate_scatter(agg, [t1], c1 * nv)
            plsc.addupdate_scatter(agg, [t2], c2 * nv)
            plsc.addupdate_scatter(agg, [t3], c3 * nv)

    pltpu.sync_copy(agg, agg_hbm.at[pl.ds(wid * CPT * NP, CPT * NP)])


_agg_call = pl.kernel(
    _agg_kernel,
    out_type=jax.ShapeDtypeStruct((D * NP,), jnp.float32),
    mesh=plsc.VectorSubcoreMesh(core_axis_name="c", subcore_axis_name="s"),
    compiler_params=pltpu.CompilerParams(needs_layout_passes=False),
    scratch_types=[
        pltpu.VMEM((2 * NP,), jnp.int32),
        pltpu.VMEM((CPT * NP,), jnp.float32),
        pltpu.VMEM((NP,), jnp.float32),
        pltpu.VMEM((CHUNK,), jnp.int32),
        pltpu.VMEM((CHUNK,), jnp.float32),
    ],
)


BN = 1024


def _dense_kernel(aggt_ref, h_ref, w_ref, b_ref, g_ref, be_ref, o_ref):
    agg_t = aggt_ref[...]
    x = lax.dot_general(agg_t, w_ref[...], (((0,), (1,)), ((), ())),
                        preferred_element_type=jnp.float32)
    x = x + b_ref[...] + h_ref[...]
    mean = jnp.mean(x, axis=1, keepdims=True)
    xc = x - mean
    var = jnp.mean(xc * xc, axis=1, keepdims=True)
    xn = xc * lax.rsqrt(var + 1e-5)
    x = xn * g_ref[...] + be_ref[...]
    o_ref[...] = 0.5 * x * (1.0 + lax.erf(x * 0.7071067811865476))


def _dense_call(agg_t, h, W, b, gamma, beta):
    return pl.pallas_call(
        _dense_kernel,
        grid=(NP // BN,),
        in_specs=[
            pl.BlockSpec((D, BN), lambda i: (0, i)),
            pl.BlockSpec((BN, D), lambda i: (i, 0)),
            pl.BlockSpec((D, D), lambda i: (0, 0)),
            pl.BlockSpec((1, D), lambda i: (0, 0)),
            pl.BlockSpec((1, D), lambda i: (0, 0)),
            pl.BlockSpec((1, D), lambda i: (0, 0)),
        ],
        out_specs=pl.BlockSpec((BN, D), lambda i: (i, 0)),
        out_shape=jax.ShapeDtypeStruct((NP, D), jnp.float32),
    )(agg_t, h, W, b, gamma, beta)


def kernel(h, edge_index, edge_weight, W, b, gamma, beta):
    src = edge_index[0].astype(jnp.int32)
    dst = edge_index[1].astype(jnp.int32)
    ew = edge_weight.astype(jnp.float32)
    h = h.astype(jnp.float32)
    h_p = jnp.pad(h, ((0, NP - N), (0, 0)))

    hb = lax.bitcast_convert_type(
        jnp.pad(h.T, ((0, 0), (0, NP - N))).astype(jnp.bfloat16), jnp.uint16
    ).astype(jnp.uint32)
    hpk = lax.bitcast_convert_type(hb[0::2] | (hb[1::2] << 16), jnp.int32)

    spk = src | (dst << 14)

    degp = _deg_call(dst.reshape(NW, E_PER_W), ew.reshape(NW, E_PER_W))
    norm, d2 = _norm_call(degp, spk, ew)
    agg_t = _agg_call(hpk.reshape(-1), spk, norm, d2).reshape(D, NP)
    out = _dense_call(agg_t, h_p, W, b.reshape(1, D), gamma.reshape(1, D),
                      beta.reshape(1, D))
    return out[:N]

# --- scband reference (transcript-rebuilt; emitter-appended) ---
"""Pipeline reference for scband-weighted-gcnconv-40321152974901 (READ-ONLY COPY).

The authoritative reference and input builder live on the scoring server;
editing this copy changes nothing except your own understanding.
"""

import jax, jax.numpy as jnp
import numpy as np

N = 10000
E = 320000
D = 128


def setup_inputs(seed: int = 0) -> dict:
    key = jax.random.key(seed)
    k1, k2, k3, k4, k5, k6, k7 = jax.random.split(key, 7)
    h = jax.random.normal(k1, (N, D), dtype=jnp.float32)
    edge_index = jax.random.randint(k2, (2, E), 0, N, dtype=jnp.int64)
    edge_weight = jax.random.uniform(k3, (E,), dtype=jnp.float32)
    # parameters sized per init_kwargs (dim=128)
    lim = 1.0 / np.sqrt(D)
    W = jax.random.uniform(k4, (D, D), dtype=jnp.float32, minval=-lim, maxval=lim)
    b = jax.random.uniform(k5, (D,), dtype=jnp.float32, minval=-lim, maxval=lim)
    gamma = jnp.ones((D,), dtype=jnp.float32)
    beta = jnp.zeros((D,), dtype=jnp.float32)
    return {"h": h, "edge_index": edge_index, "edge_weight": edge_weight, "W": W, "b": b, "gamma": gamma, "beta": beta}


def reference(h, edge_index, edge_weight, W, b, gamma, beta):
    n = h.shape[0]
    dtype = h.dtype
    self_idx = jnp.arange(n)
    ei = jnp.concatenate([edge_index, jnp.stack([self_idx, self_idx])], axis=1)
    ew = jnp.concatenate([edge_weight.astype(dtype), jnp.ones((n,), dtype=dtype)])
    src, dst = ei[0], ei[1]
    # degree via scatter-add
    deg = jnp.zeros((n,), dtype=dtype).at[dst].add(ew)
    d = jnp.minimum(deg ** -0.5, 10000.0)
    norm = d[src] * ew * d[dst]
    # gather + scale messages
    msg = h[src] * norm[:, None]
    # scatter-add aggregation
    agg = jnp.zeros_like(h).at[dst].add(msg)
    out = agg @ W.T + b
    # LayerNorm (torch default eps=1e-5, biased variance) on (out + h)
    x = out + h
    mean = jnp.mean(x, axis=-1, keepdims=True)
    var = jnp.mean((x - mean) ** 2, axis=-1, keepdims=True)
    xn = (x - mean) / jnp.sqrt(var + 1e-5)
    x = xn * gamma + beta
    # exact GELU (torch nn.GELU default)
    x = jax.nn.gelu(x, approximate=False)
    # dropout is identity in eval mode
    return x

if __name__ == "__main__":
    import jax
    _d = setup_inputs()
    print(jax.jit(kernel)(*tuple(_d.values())))

</pallas_src>

<mosaic_0001>
#map = affine_map<(d0, d1) -> (0, 0)>
module attributes {stable_mosaic.version = 14 : i64} {
  func.func @_deg_kernel(%arg0: i32, %arg1: i32, %arg2: memref<32x10000xi32, #tpu.memory_space<hbm>>, %arg3: memref<32x10000xf32, #tpu.memory_space<hbm>>, %arg4: memref<2x10240xf32, #tpu.memory_space<hbm>>, %arg5: memref<10000xi32, #tpu.memory_space<vmem>>, %arg6: memref<10000xf32, #tpu.memory_space<vmem>>, %arg7: memref<10240xf32, #tpu.memory_space<vmem>>, %arg8: memref<16x10240xf32, #tpu.memory_space<vmem_shared>>, %arg9: memref<16x640xf32, #tpu.memory_space<vmem>>, %arg10: memref<640xf32, #tpu.memory_space<vmem>>) attributes {dimension_semantics = [#tpu.dimension_semantics<core_parallel>, #tpu.dimension_semantics<subcore_parallel>], iteration_bounds = array<i64: 2, 16>, scalar_prefetch = 0 : i64, scratch_operands = 6 : i64, tpu.core_type = #tpu.core_type<sc_vector_subcore>, window_params = [{transform_indices = #map}, {transform_indices = #map}, {transform_indices = #map}]} {
    %mul3A = arith.constant 16 : i32
    %mul3A_0 = arith.muli %arg0, %mul3A : i32
    %add3A = arith.addi %mul3A_0, %arg1 : i32
    %broadcast_in_dim3A = arith.constant 0.000000e+00 : f32
    %broadcast_in_dim3A_1 = vector.broadcast %broadcast_in_dim3A : f32 to vector<16xf32>
    %scan3A = arith.constant 0 : i32
    %scan3A_2 = arith.constant 640 : i32
    %scan3A_3 = arith.addi %scan3A, %scan3A_2 : i32
    %scan3A_4 = arith.constant 1 : i32
    scf.for %scan3A_31 = %scan3A to %scan3A_3 step %scan3A_4  : i32 {
      %mul3A_32 = arith.constant 1 : i32
      %mul3A_33 = arith.muli %scan3A_31, %mul3A_32 : i32
      %add3A_34 = arith.constant 0 : i32
      %add3A_35 = arith.addi %add3A_34, %mul3A_33 : i32
      %mul3A_36 = arith.constant 16 : i32
      %mul3A_37 = arith.muli %add3A_35, %mul3A_36 : i32
      %swap3A = arith.index_cast %mul3A_37 : i32 to index
      %swap3A_38 = tpu.vector_load %arg7[%swap3A] {strides = array<i32>} : memref<10240xf32, #tpu.memory_space<vmem>>, vector<16xf32>,
      tpu.vector_store %arg7[%swap3A], %broadcast_in_dim3A_1 {strides = array<i32>} : memref<10240xf32, #tpu.memory_space<vmem>>, vector<16xf32>,
    }
    %scan3A_5 = arith.constant 640 : i32
    "tpu.region"() ({
      %run_scoped3A = tpu.sem_alloc : memref<!tpu.dma_semaphore, #tpu.memory_space<semaphore_mem>>
      %dma_start3A = arith.constant 0 : i32
      %dma_start3A_31 = tpu.memref_slice %arg2[%add3A, %dma_start3A] : memref<32x10000xi32, #tpu.memory_space<hbm>> -> memref<1x10000xi32, #tpu.memory_space<hbm>>
      %dma_start3A_32 = tpu.memref_squeeze %dma_start3A_31 : memref<1x10000xi32, #tpu.memory_space<hbm>> -> memref<10000xi32, #tpu.memory_space<hbm>>
      %dma_start3A_33 = arith.constant 0 : i32
      %dma_start3A_34 = tpu.memref_slice %arg2[%add3A, %dma_start3A_33] : memref<32x10000xi32, #tpu.memory_space<hbm>> -> memref<1x10000xi32, #tpu.memory_space<hbm>>
      %dma_start3A_35 = tpu.memref_squeeze %dma_start3A_34 : memref<1x10000xi32, #tpu.memory_space<hbm>> -> memref<10000xi32, #tpu.memory_space<hbm>>
      tpu.enqueue_dma source(%dma_start3A_35 : memref<10000xi32, #tpu.memory_space<hbm>>) target(%arg5 : memref<10000xi32, #tpu.memory_space<vmem>>) target_semaphore(%run_scoped3A : memref<!tpu.dma_semaphore, #tpu.memory_space<semaphore_mem>>)
      %dma_wait3A = arith.constant 0 : i32
      %dma_wait3A_36 = tpu.memref_slice %arg2[%add3A, %dma_wait3A] : memref<32x10000xi32, #tpu.memory_space<hbm>> -> memref<1x10000xi32, #tpu.memory_space<hbm>>
      %dma_wait3A_37 = tpu.memref_squeeze %dma_wait3A_36 : memref<1x10000xi32, #tpu.memory_space<hbm>> -> memref<10000xi32, #tpu.memory_space<hbm>>
      %dma_wait3A_38 = arith.constant 0 : i32
      %dma_wait3A_39 = tpu.memref_slice %arg2[%add3A, %dma_wait3A_38] : memref<32x10000xi32, #tpu.memory_space<hbm>> -> memref<1x10000xi32, #tpu.memory_space<hbm>>
      %dma_wait3A_40 = tpu.memref_squeeze %dma_wait3A_39 : memref<1x10000xi32, #tpu.memory_space<hbm>> -> memref<10000xi32, #tpu.memory_space<hbm>>
      tpu.wait_dma2 semaphore(%run_scoped3A : memref<!tpu.dma_semaphore, #tpu.memory_space<semaphore_mem>>) src(%dma_wait3A_40 : memref<10000xi32, #tpu.memory_space<hbm>>) dst(%arg5 : memref<10000xi32, #tpu.memory_space<vmem>>)
      tpu.yield
    }) : () -> ()
    "tpu.region"() ({
      %run_scoped3A = tpu.sem_alloc : memref<!tpu.dma_semaphore, #tpu.memory_space<semaphore_mem>>
      %dma_start3A = arith.constant 0 : i32
      %dma_start3A_31 = tpu.memref_slice %arg3[%add3A, %dma_start3A] : memref<32x10000xf32, #tpu.memory_space<hbm>> -> memref<1x10000xf32, #tpu.memory_space<hbm>>
      %dma_start3A_32 = tpu.memref_squeeze %dma_start3A_31 : memref<1x10000xf32, #tpu.memory_space<hbm>> -> memref<10000xf32, #tpu.memory_space<hbm>>
      %dma_start3A_33 = arith.constant 0 : i32
      %dma_start3A_34 = tpu.memref_slice %arg3[%add3A, %dma_start3A_33] : memref<32x10000xf32, #tpu.memory_space<hbm>> -> memref<1x10000xf32, #tpu.memory_space<hbm>>
      %dma_start3A_35 = tpu.memref_squeeze %dma_start3A_34 : memref<1x10000xf32, #tpu.memory_space<hbm>> -> memref<10000xf32, #tpu.memory_space<hbm>>
      tpu.enqueue_dma source(%dma_start3A_35 : memref<10000xf32, #tpu.memory_space<hbm>>) target(%arg6 : memref<10000xf32, #tpu.memory_space<vmem>>) target_semaphore(%run_scoped3A : memref<!tpu.dma_semaphore, #tpu.memory_space<semaphore_mem>>)
      %dma_wait3A = arith.constant 0 : i32
      %dma_wait3A_36 = tpu.memref_slice %arg3[%add3A, %dma_wait3A] : memref<32x10000xf32, #tpu.memory_space<hbm>> -> memref<1x10000xf32, #tpu.memory_space<hbm>>
      %dma_wait3A_37 = tpu.memref_squeeze %dma_wait3A_36 : memref<1x10000xf32, #tpu.memory_space<hbm>> -> memref<10000xf32, #tpu.memory_space<hbm>>
      %dma_wait3A_38 = arith.constant 0 : i32
      %dma_wait3A_39 = tpu.memref_slice %arg3[%add3A, %dma_wait3A_38] : memref<32x10000xf32, #tpu.memory_space<hbm>> -> memref<1x10000xf32, #tpu.memory_space<hbm>>
      %dma_wait3A_40 = tpu.memref_squeeze %dma_wait3A_39 : memref<1x10000xf32, #tpu.memory_space<hbm>> -> memref<10000xf32, #tpu.memory_space<hbm>>
      tpu.wait_dma2 semaphore(%run_scoped3A : memref<!tpu.dma_semaphore, #tpu.memory_space<semaphore_mem>>) src(%dma_wait3A_40 : memref<10000xf32, #tpu.memory_space<hbm>>) dst(%arg6 : memref<10000xf32, #tpu.memory_space<vmem>>)
      tpu.yield
    }) : () -> ()
    %scan3A_6 = arith.constant 0 : i32
    %scan3A_7 = arith.constant 624 : i32
    %scan3A_8 = arith.addi %scan3A_6, %scan3A_7 : i32
    %scan3A_9 = arith.constant 4 : i32
    scf.for %scan3A_31 = %scan3A_6 to %scan3A_8 step %scan3A_9  : i32 {
      %mul3A_32 = arith.constant 1 : i32
      %mul3A_33 = arith.muli %scan3A_31, %mul3A_32 : i32
      %add3A_34 = arith.constant 0 : i32
      %add3A_35 = arith.addi %add3A_34, %mul3A_33 : i32
      %mul3A_36 = arith.constant 16 : i32
      %mul3A_37 = arith.muli %add3A_35, %mul3A_36 : i32
      %get3A_38 = arith.index_cast %mul3A_37 : i32 to index
      %get3A_39 = tpu.vector_load %arg5[%get3A_38] {strides = array<i32>} : memref<10000xi32, #tpu.memory_space<vmem>>, vector<16xi32>,
      %mul3A_40 = arith.constant 16 : i32
      %mul3A_41 = arith.muli %add3A_35, %mul3A_40 : i32
      %get3A_42 = arith.index_cast %mul3A_41 : i32 to index
      %get3A_43 = tpu.vector_load %arg6[%get3A_42] {strides = array<i32>} : memref<10000xf32, #tpu.memory_space<vmem>>, vector<16xf32>,
      tpu.vector_store_idx %arg7[%get3A_39], %get3A_43 {add = true} : memref<10240xf32, #tpu.memory_space<vmem>>[vector<16xi32>], vector<16xf32>,
      %scan3A_44 = arith.constant 1 : i32
      %scan3A_45 = arith.addi %scan3A_31, %scan3A_44 : i32
      %mul3A_46 = arith.constant 1 : i32
      %mul3A_47 = arith.muli %scan3A_45, %mul3A_46 : i32
      %add3A_48 = arith.constant 0 : i32
      %add3A_49 = arith.addi %add3A_48, %mul3A_47 : i32
      %mul3A_50 = arith.constant 16 : i32
      %mul3A_51 = arith.muli %add3A_49, %mul3A_50 : i32
      %get3A_52 = arith.index_cast %mul3A_51 : i32 to index
      %get3A_53 = tpu.vector_load %arg5[%get3A_52] {strides = array<i32>} : memref<10000xi32, #tpu.memory_space<vmem>>, vector<16xi32>,
      %mul3A_54 = arith.constant 16 : i32
      %mul3A_55 = arith.muli %add3A_49, %mul3A_54 : i32
      %get3A_56 = arith.index_cast %mul3A_55 : i32 to index
      %get3A_57 = tpu.vector_load %arg6[%get3A_56] {strides = array<i32>} : memref<10000xf32, #tpu.memory_space<vmem>>, vector<16xf32>,
      tpu.vector_store_idx %arg7[%get3A_53], %get3A_57 {add = true} : memref<10240xf32, #tpu.memory_space<vmem>>[vector<16xi32>], vector<16xf32>,
      %scan3A_58 = arith.constant 2 : i32
      %scan3A_59 = arith.addi %scan3A_31, %scan3A_58 : i32
      %mul3A_60 = arith.constant 1 : i32
      %mul3A_61 = arith.muli %scan3A_59, %mul3A_60 : i32
      %add3A_62 = arith.constant 0 : i32
      %add3A_63 = arith.addi %add3A_62, %mul3A_61 : i32
      %mul3A_64 = arith.constant 16 : i32
      %mul3A_65 = arith.muli %add3A_63, %mul3A_64 : i32
      %get3A_66 = arith.index_cast %mul3A_65 : i32 to index
      %get3A_67 = tpu.vector_load %arg5[%get3A_66] {strides = array<i32>} : memref<10000xi32, #tpu.memory_space<vmem>>, vector<16xi32>,
      %mul3A_68 = arith.constant 16 : i32
      %mul3A_69 = arith.muli %add3A_63, %mul3A_68 : i32
      %get3A_70 = arith.index_cast %mul3A_69 : i32 to index
      %get3A_71 = tpu.vector_load %arg6[%get3A_70] {strides = array<i32>} : memref<10000xf32, #tpu.memory_space<vmem>>, vector<16xf32>,
      tpu.vector_store_idx %arg7[%get3A_67], %get3A_71 {add = true} : memref<10240xf32, #tpu.memory_space<vmem>>[vector<16xi32>], vector<16xf32>,
      %scan3A_72 = arith.constant 3 : i32
      %scan3A_73 = arith.addi %scan3A_31, %scan3A_72 : i32
      %mul3A_74 = arith.constant 1 : i32
      %mul3A_75 = arith.muli %scan3A_73, %mul3A_74 : i32
      %add3A_76 = arith.constant 0 : i32
      %add3A_77 = arith.addi %add3A_76, %mul3A_75 : i32
      %mul3A_78 = arith.constant 16 : i32
      %mul3A_79 = arith.muli %add3A_77, %mul3A_78 : i32
      %get3A_80 = arith.index_cast %mul3A_79 : i32 to index
      %get3A_81 = tpu.vector_load %arg5[%get3A_80] {strides = array<i32>} : memref<10000xi32, #tpu.memory_space<vmem>>, vector<16xi32>,
      %mul3A_82 = arith.constant 16 : i32
      %mul3A_83 = arith.muli %add3A_77, %mul3A_82 : i32
      %get3A_84 = arith.index_cast %mul3A_83 : i32 to index
      %get3A_85 = tpu.vector_load %arg6[%get3A_84] {strides = array<i32>} : memref<10000xf32, #tpu.memory_space<vmem>>, vector<16xf32>,
      tpu.vector_store_idx %arg7[%get3A_81], %get3A_85 {add = true} : memref<10240xf32, #tpu.memory_space<vmem>>[vector<16xi32>], vector<16xf32>,
    }
    %scan3A_10 = arith.constant 624 : i32
    %scan3A_11 = arith.addi %scan3A_6, %scan3A_10 : i32
    %mul3A_12 = arith.constant 1 : i32
    %mul3A_13 = arith.muli %scan3A_11, %mul3A_12 : i32
    %add3A_14 = arith.constant 0 : i32
    %add3A_15 = arith.addi %add3A_14, %mul3A_13 : i32
    %mul3A_16 = arith.constant 16 : i32
    %mul3A_17 = arith.muli %add3A_15, %mul3A_16 : i32
    %get3A = arith.index_cast %mul3A_17 : i32 to index
    %get3A_18 = tpu.vector_load %arg5[%get3A] {strides = array<i32>} : memref<10000xi32, #tpu.memory_space<vmem>>, vector<16xi32>,
    %mul3A_19 = arith.constant 16 : i32
    %mul3A_20 = arith.muli %add3A_15, %mul3A_19 : i32
    %get3A_21 = arith.index_cast %mul3A_20 : i32 to index
    %get3A_22 = tpu.vector_load %arg6[%get3A_21] {strides = array<i32>} : memref<10000xf32, #tpu.memory_space<vmem>>, vector<16xf32>,
    tpu.vector_store_idx %arg7[%get3A_18], %get3A_22 {add = true} : memref<10240xf32, #tpu.memory_space<vmem>>[vector<16xi32>], vector<16xf32>,
    %scan3A_23 = arith.constant 625 : i32
    "tpu.region"() ({
      %run_scoped3A = tpu.sem_alloc : memref<!tpu.dma_semaphore, #tpu.memory_space<semaphore_mem>>
      %dma_start3A = arith.constant 0 : i32
      %dma_start3A_31 = tpu.memref_slice %arg8[%arg1, %dma_start3A] : memref<16x10240xf32, #tpu.memory_space<vmem_shared>> -> memref<1x10240xf32, #tpu.memory_space<vmem_shared>>
      %dma_start3A_32 = tpu.memref_squeeze %dma_start3A_31 : memref<1x10240xf32, #tpu.memory_space<vmem_shared>> -> memref<10240xf32, #tpu.memory_space<vmem_shared>>
      %dma_start3A_33 = arith.constant 0 : i32
      %dma_start3A_34 = tpu.memref_slice %arg8[%arg1, %dma_start3A_33] : memref<16x10240xf32, #tpu.memory_space<vmem_shared>> -> memref<1x10240xf32, #tpu.memory_space<vmem_shared>>
      %dma_start3A_35 = tpu.memref_squeeze %dma_start3A_34 : memref<1x10240xf32, #tpu.memory_space<vmem_shared>> -> memref<10240xf32, #tpu.memory_space<vmem_shared>>
      tpu.enqueue_dma source(%arg7 : memref<10240xf32, #tpu.memory_space<vmem>>) target(%dma_start3A_35 : memref<10240xf32, #tpu.memory_space<vmem_shared>>) target_semaphore(%run_scoped3A : memref<!tpu.dma_semaphore, #tpu.memory_space<semaphore_mem>>)
      %dma_wait3A = arith.constant 0 : i32
      %dma_wait3A_36 = tpu.memref_slice %arg8[%arg1, %dma_wait3A] : memref<16x10240xf32, #tpu.memory_space<vmem_shared>> -> memref<1x10240xf32, #tpu.memory_space<vmem_shared>>
      %dma_wait3A_37 = tpu.memref_squeeze %dma_wait3A_36 : memref<1x10240xf32, #tpu.memory_space<vmem_shared>> -> memref<10240xf32, #tpu.memory_space<vmem_shared>>
      %dma_wait3A_38 = arith.constant 0 : i32
      %dma_wait3A_39 = tpu.memref_slice %arg8[%arg1, %dma_wait3A_38] : memref<16x10240xf32, #tpu.memory_space<vmem_shared>> -> memref<1x10240xf32, #tpu.memory_space<vmem_shared>>
      %dma_wait3A_40 = tpu.memref_squeeze %dma_wait3A_39 : memref<1x10240xf32, #tpu.memory_space<vmem_shared>> -> memref<10240xf32, #tpu.memory_space<vmem_shared>>
      tpu.wait_dma2 semaphore(%run_scoped3A : memref<!tpu.dma_semaphore, #tpu.memory_space<semaphore_mem>>) src(%arg7 : memref<10240xf32, #tpu.memory_space<vmem>>) dst(%dma_wait3A_40 : memref<10240xf32, #tpu.memory_space<vmem_shared>>)
      tpu.yield
    }) : () -> ()
    %barrier3A = arith.constant 0 : index
    tpu.barrier barrier_id(%barrier3A)
    %mul3A_24 = arith.constant 640 : i32
    %mul3A_25 = arith.muli %arg1, %mul3A_24 : i32
    "tpu.region"() ({
      %run_scoped3A = tpu.sem_alloc : memref<!tpu.dma_semaphore, #tpu.memory_space<semaphore_mem>>
      %dma_start3A = arith.constant 0 : i32
      %dma_start3A_31 = tpu.memref_slice %arg8[%dma_start3A, %mul3A_25] : memref<16x10240xf32, #tpu.memory_space<vmem_shared>> -> memref<16x640xf32, #tpu.memory_space<vmem_shared>>
      %dma_start3A_32 = arith.constant 0 : i32
      %dma_start3A_33 = tpu.memref_slice %arg8[%dma_start3A_32, %mul3A_25] : memref<16x10240xf32, #tpu.memory_space<vmem_shared>> -> memref<16x640xf32, #tpu.memory_space<vmem_shared>>
      tpu.enqueue_dma source(%dma_start3A_33 : memref<16x640xf32, #tpu.memory_space<vmem_shared>>) target(%arg9 : memref<16x640xf32, #tpu.memory_space<vmem>>) target_semaphore(%run_scoped3A : memref<!tpu.dma_semaphore, #tpu.memory_space<semaphore_mem>>)
      %dma_wait3A = arith.constant 0 : i32
      %dma_wait3A_34 = tpu.memref_slice %arg8[%dma_wait3A, %mul3A_25] : memref<16x10240xf32, #tpu.memory_space<vmem_shared>> -> memref<16x640xf32, #tpu.memory_space<vmem_shared>>
      %dma_wait3A_35 = arith.constant 0 : i32
      %dma_wait3A_36 = tpu.memref_slice %arg8[%dma_wait3A_35, %mul3A_25] : memref<16x10240xf32, #tpu.memory_space<vmem_shared>> -> memref<16x640xf32, #tpu.memory_space<vmem_shared>>
      tpu.wait_dma2 semaphore(%run_scoped3A : memref<!tpu.dma_semaphore, #tpu.memory_space<semaphore_mem>>) src(%dma_wait3A_36 : memref<16x640xf32, #tpu.memory_space<vmem_shared>>) dst(%arg9 : memref<16x640xf32, #tpu.memory_space<vmem>>)
      tpu.yield
    }) : () -> ()
    %scan3A_26 = arith.constant 0 : i32
    %scan3A_27 = arith.constant 40 : i32
    %scan3A_28 = arith.addi %scan3A_26, %scan3A_27 : i32
    %scan3A_29 = arith.constant 1 : i32
    scf.for %scan3A_31 = %scan3A_26 to %scan3A_28 step %scan3A_29  : i32 {
      %mul3A_32 = arith.constant 1 : i32
      %mul3A_33 = arith.muli %scan3A_31, %mul3A_32 : i32
      %add3A_34 = arith.constant 0 : i32
      %add3A_35 = arith.addi %add3A_34, %mul3A_33 : i32
      %mul3A_36 = arith.constant 16 : i32
      %mul3A_37 = arith.muli %add3A_35, %mul3A_36 : i32
      %get3A_38 = arith.constant 0 : i32
      %get3A_39 = arith.index_cast %get3A_38 : i32 to index
      %get3A_40 = arith.index_cast %mul3A_37 : i32 to index
      %get3A_41 = tpu.vector_load %arg9[%get3A_39, %get3A_40] {strides = array<i32>} : memref<16x640xf32, #tpu.memory_space<vmem>>, vector<16xf32>,
      %mul3A_42 = arith.constant 16 : i32
      %mul3A_43 = arith.muli %add3A_35, %mul3A_42 : i32
      %get3A_44 = arith.constant 1 : i32
      %get3A_45 = arith.index_cast %get3A_44 : i32 to index
      %get3A_46 = arith.index_cast %mul3A_43 : i32 to index
      %get3A_47 = tpu.vector_load %arg9[%get3A_45, %get3A_46] {strides = array<i32>} : memref<16x640xf32, #tpu.memory_space<vmem>>, vector<16xf32>,
      %add3A_48 = arith.addf %get3A_41, %get3A_47 : vector<16xf32>
      %mul3A_49 = arith.constant 16 : i32
      %mul3A_50 = arith.muli %add3A_35, %mul3A_49 : i32
      %get3A_51 = arith.constant 2 : i32
      %get3A_52 = arith.index_cast %get3A_51 : i32 to index
      %get3A_53 = arith.index_cast %mul3A_50 : i32 to index
      %get3A_54 = tpu.vector_load %arg9[%get3A_52, %get3A_53] {strides = array<i32>} : memref<16x640xf32, #tpu.memory_space<vmem>>, vector<16xf32>,
      %add3A_55 = arith.addf %add3A_48, %get3A_54 : vector<16xf32>
      %mul3A_56 = arith.constant 16 : i32
      %mul3A_57 = arith.muli %add3A_35, %mul3A_56 : i32
      %get3A_58 = arith.constant 3 : i32
      %get3A_59 = arith.index_cast %get3A_58 : i32 to index
      %get3A_60 = arith.index_cast %mul3A_57 : i32 to index
      %get3A_61 = tpu.vector_load %arg9[%get3A_59, %get3A_60] {strides = array<i32>} : memref<16x640xf32, #tpu.memory_space<vmem>>, vector<16xf32>,
      %add3A_62 = arith.addf %add3A_55, %get3A_61 : vector<16xf32>
      %mul3A_63 = arith.constant 16 : i32
      %mul3A_64 = arith.muli %add3A_35, %mul3A_63 : i32
      %get3A_65 = arith.constant 4 : i32
      %get3A_66 = arith.index_cast %get3A_65 : i32 to index
      %get3A_67 = arith.index_cast %mul3A_64 : i32 to index
      %get3A_68 = tpu.vector_load %arg9[%get3A_66, %get3A_67] {strides = array<i32>} : memref<16x640xf32, #tpu.memory_space<vmem>>, vector<16xf32>,
      %add3A_69 = arith.addf %add3A_62, %get3A_68 : vector<16xf32>
      %mul3A_70 = arith.constant 16 : i32
      %mul3A_71 = arith.muli %add3A_35, %mul3A_70 : i32
      %get3A_72 = arith.constant 5 : i32
      %get3A_73 = arith.index_cast %get3A_72 : i32 to index
      %get3A_74 = arith.index_cast %mul3A_71 : i32 to index
      %get3A_75 = tpu.vector_load %arg9[%get3A_73, %get3A_74] {strides = array<i32>} : memref<16x640xf32, #tpu.memory_space<vmem>>, vector<16xf32>,
      %add3A_76 = arith.addf %add3A_69, %get3A_75 : vector<16xf32>
      %mul3A_77 = arith.constant 16 : i32
      %mul3A_78 = arith.muli %add3A_35, %mul3A_77 : i32
      %get3A_79 = arith.constant 6 : i32
      %get3A_80 = arith.index_cast %get3A_79 : i32 to index
      %get3A_81 = arith.index_cast %mul3A_78 : i32 to index
      %get3A_82 = tpu.vector_load %arg9[%get3A_80, %get3A_81] {strides = array<i32>} : memref<16x640xf32, #tpu.memory_space<vmem>>, vector<16xf32>,
      %add3A_83 = arith.addf %add3A_76, %get3A_82 : vector<16xf32>
      %mul3A_84 = arith.constant 16 : i32
      %mul3A_85 = arith.muli %add3A_35, %mul3A_84 : i32
      %get3A_86 = arith.constant 7 : i32
      %get3A_87 = arith.index_cast %get3A_86 : i32 to index
      %get3A_88 = arith.index_cast %mul3A_85 : i32 to index
      %get3A_89 = tpu.vector_load %arg9[%get3A_87, %get3A_88] {strides = array<i32>} : memref<16x640xf32, #tpu.memory_space<vmem>>, vector<16xf32>,
      %add3A_90 = arith.addf %add3A_83, %get3A_89 : vector<16xf32>
      %mul3A_91 = arith.constant 16 : i32
      %mul3A_92 = arith.muli %add3A_35, %mul3A_91 : i32
      %get3A_93 = arith.constant 8 : i32
      %get3A_94 = arith.index_cast %get3A_93 : i32 to index
      %get3A_95 = arith.index_cast %mul3A_92 : i32 to index
      %get3A_96 = tpu.vector_load %arg9[%get3A_94, %get3A_95] {strides = array<i32>} : memref<16x640xf32, #tpu.memory_space<vmem>>, vector<16xf32>,
      %add3A_97 = arith.addf %add3A_90, %get3A_96 : vector<16xf32>
      %mul3A_98 = arith.constant 16 : i32
      %mul3A_99 = arith.muli %add3A_35, %mul3A_98 : i32
      %get3A_100 = arith.constant 9 : i32
      %get3A_101 = arith.index_cast %get3A_100 : i32 to index
      %get3A_102 = arith.index_cast %mul3A_99 : i32 to index
      %get3A_103 = tpu.vector_load %arg9[%get3A_101, %get3A_102] {strides = array<i32>} : memref<16x640xf32, #tpu.memory_space<vmem>>, vector<16xf32>,
      %add3A_104 = arith.addf %add3A_97, %get3A_103 : vector<16xf32>
      %mul3A_105 = arith.constant 16 : i32
      %mul3A_106 = arith.muli %add3A_35, %mul3A_105 : i32
      %get3A_107 = arith.constant 10 : i32
      %get3A_108 = arith.index_cast %get3A_107 : i32 to index
      %get3A_109 = arith.index_cast %mul3A_106 : i32 to index
      %get3A_110 = tpu.vector_load %arg9[%get3A_108, %get3A_109] {strides = array<i32>} : memref<16x640xf32, #tpu.memory_space<vmem>>, vector<16xf32>,
      %add3A_111 = arith.addf %add3A_104, %get3A_110 : vector<16xf32>
      %mul3A_112 = arith.constant 16 : i32
      %mul3A_113 = arith.muli %add3A_35, %mul3A_112 : i32
      %get3A_114 = arith.constant 11 : i32
      %get3A_115 = arith.index_cast %get3A_114 : i32 to index
      %get3A_116 = arith.index_cast %mul3A_113 : i32 to index
      %get3A_117 = tpu.vector_load %arg9[%get3A_115, %get3A_116] {strides = array<i32>} : memref<16x640xf32, #tpu.memory_space<vmem>>, vector<16xf32>,
      %add3A_118 = arith.addf %add3A_111, %get3A_117 : vector<16xf32>
      %mul3A_119 = arith.constant 16 : i32
      %mul3A_120 = arith.muli %add3A_35, %mul3A_119 : i32
      %get3A_121 = arith.constant 12 : i32
      %get3A_122 = arith.index_cast %get3A_121 : i32 to index
      %get3A_123 = arith.index_cast %mul3A_120 : i32 to index
      %get3A_124 = tpu.vector_load %arg9[%get3A_122, %get3A_123] {strides = array<i32>} : memref<16x640xf32, #tpu.memory_space<vmem>>, vector<16xf32>,
      %add3A_125 = arith.addf %add3A_118, %get3A_124 : vector<16xf32>
      %mul3A_126 = arith.constant 16 : i32
      %mul3A_127 = arith.muli %add3A_35, %mul3A_126 : i32
      %get3A_128 = arith.constant 13 : i32
      %get3A_129 = arith.index_cast %get3A_128 : i32 to index
      %get3A_130 = arith.index_cast %mul3A_127 : i32 to index
      %get3A_131 = tpu.vector_load %arg9[%get3A_129, %get3A_130] {strides = array<i32>} : memref<16x640xf32, #tpu.memory_space<vmem>>, vector<16xf32>,
      %add3A_132 = arith.addf %add3A_125, %get3A_131 : vector<16xf32>
      %mul3A_133 = arith.constant 16 : i32
      %mul3A_134 = arith.muli %add3A_35, %mul3A_133 : i32
      %get3A_135 = arith.constant 14 : i32
      %get3A_136 = arith.index_cast %get3A_135 : i32 to index
      %get3A_137 = arith.index_cast %mul3A_134 : i32 to index
      %get3A_138 = tpu.vector_load %arg9[%get3A_136, %get3A_137] {strides = array<i32>} : memref<16x640xf32, #tpu.memory_space<vmem>>, vector<16xf32>,
      %add3A_139 = arith.addf %add3A_132, %get3A_138 : vector<16xf32>
      %mul3A_140 = arith.constant 16 : i32
      %mul3A_141 = arith.muli %add3A_35, %mul3A_140 : i32
      %get3A_142 = arith.constant 15 : i32
      %get3A_143 = arith.index_cast %get3A_142 : i32 to index
      %get3A_144 = arith.index_cast %mul3A_141 : i32 to index
      %get3A_145 = tpu.vector_load %arg9[%get3A_143, %get3A_144] {strides = array<i32>} : memref<16x640xf32, #tpu.memory_space<vmem>>, vector<16xf32>,
      %add3A_146 = arith.addf %add3A_139, %get3A_145 : vector<16xf32>
      %mul3A_147 = arith.constant 16 : i32
      %mul3A_148 = arith.muli %add3A_35, %mul3A_147 : i32
      %swap3A = arith.index_cast %mul3A_148 : i32 to index
      %swap3A_149 = tpu.vector_load %arg10[%swap3A] {strides = array<i32>} : memref<640xf32, #tpu.memory_space<vmem>>, vector<16xf32>,
      tpu.vector_store %arg10[%swap3A], %add3A_146 {strides = array<i32>} : memref<640xf32, #tpu.memory_space<vmem>>, vector<16xf32>,
    }
    %scan3A_30 = arith.constant 40 : i32
    "tpu.region"() ({
      %run_scoped3A = tpu.sem_alloc : memref<!tpu.dma_semaphore, #tpu.memory_space<semaphore_mem>>
      %dma_start3A = tpu.memref_slice %arg4[%arg0, %mul3A_25] : memref<2x10240xf32, #tpu.memory_space<hbm>> -> memref<1x640xf32, #tpu.memory_space<hbm>>
      %dma_start3A_31 = tpu.memref_squeeze %dma_start3A : memref<1x640xf32, #tpu.memory_space<hbm>> -> memref<640xf32, #tpu.memory_space<hbm>>
      %dma_start3A_32 = tpu.memref_slice %arg4[%arg0, %mul3A_25] : memref<2x10240xf32, #tpu.memory_space<hbm>> -> memref<1x640xf32, #tpu.memory_space<hbm>>
      %dma_start3A_33 = tpu.memref_squeeze %dma_start3A_32 : memref<1x640xf32, #tpu.memory_space<hbm>> -> memref<640xf32, #tpu.memory_space<hbm>>
      tpu.enqueue_dma source(%arg10 : memref<640xf32, #tpu.memory_space<vmem>>) target(%dma_start3A_33 : memref<640xf32, #tpu.memory_space<hbm>>) target_semaphore(%run_scoped3A : memref<!tpu.dma_semaphore, #tpu.memory_space<semaphore_mem>>)
      %dma_wait3A = tpu.memref_slice %arg4[%arg0, %mul3A_25] : memref<2x10240xf32, #tpu.memory_space<hbm>> -> memref<1x640xf32, #tpu.memory_space<hbm>>
      %dma_wait3A_34 = tpu.memref_squeeze %dma_wait3A : memref<1x640xf32, #tpu.memory_space<hbm>> -> memref<640xf32, #tpu.memory_space<hbm>>
      %dma_wait3A_35 = tpu.memref_slice %arg4[%arg0, %mul3A_25] : memref<2x10240xf32, #tpu.memory_space<hbm>> -> memref<1x640xf32, #tpu.memory_space<hbm>>
      %dma_wait3A_36 = tpu.memref_squeeze %dma_wait3A_35 : memref<1x640xf32, #tpu.memory_space<hbm>> -> memref<640xf32, #tpu.memory_space<hbm>>
      tpu.wait_dma2 semaphore(%run_scoped3A : memref<!tpu.dma_semaphore, #tpu.memory_space<semaphore_mem>>) src(%arg10 : memref<640xf32, #tpu.memory_space<vmem>>) dst(%dma_wait3A_36 : memref<640xf32, #tpu.memory_space<hbm>>)
      tpu.yield
    }) : () -> ()
    return
  }
}

#map = affine_map<(d0, d1) -> (0)>
module attributes {stable_mosaic.version = 14 : i64} {
  func.func @_agg_kernel(%arg0: i32, %arg1: i32, %arg2: memref<655360xi32, #tpu.memory_space<hbm>>, %arg3: memref<320000xi32, #tpu.memory_space<hbm>>, %arg4: memref<320000xf32, #tpu.memory_space<hbm>>, %arg5: memref<10240xf32, #tpu.memory_space<hbm>>, %arg6: memref<1310720xf32, #tpu.memory_space<hbm>>, %arg7: memref<20480xi32, #tpu.memory_space<vmem>>, %arg8: memref<40960xf32, #tpu.memory_space<vmem>>, %arg9: memref<10240xf32, #tpu.memory_space<vmem>>, %arg10: memref<8000xi32, #tpu.memory_space<vmem>>, %arg11: memref<8000xf32, #tpu.memory_space<vmem>>) attributes {dimension_semantics = [#tpu.dimension_semantics<core_parallel>, #tpu.dimension_semantics<subcore_parallel>], iteration_bounds = array<i64: 2, 16>, scalar_prefetch = 0 : i64, scratch_operands = 5 : i64, tpu.core_type = #tpu.core_type<sc_vector_subcore>, window_params = [{transform_indices = #map}, {transform_indices = #map}, {transform_indices = #map}, {transform_indices = #map}, {transform_indices = #map}]} {
    %mul3A = arith.constant 16 : i32
    %mul3A_0 = arith.muli %arg0, %mul3A : i32
    %add3A = arith.addi %mul3A_0, %arg1 : i32
    %mul3A_1 = arith.constant 2 : i32
    %mul3A_2 = arith.muli %add3A, %mul3A_1 : i32
    %mul3A_3 = arith.constant 10240 : i32
    %mul3A_4 = arith.muli %mul3A_2, %mul3A_3 : i32
    "tpu.region"() ({
      %run_scoped3A = tpu.sem_alloc : memref<!tpu.dma_semaphore, #tpu.memory_space<semaphore_mem>>
      %dma_start3A = tpu.memref_slice %arg2[%mul3A_4] : memref<655360xi32, #tpu.memory_space<hbm>> -> memref<20480xi32, #tpu.memory_space<hbm>>
      %dma_start3A_18 = tpu.memref_slice %arg2[%mul3A_4] : memref<655360xi32, #tpu.memory_space<hbm>> -> memref<20480xi32, #tpu.memory_space<hbm>>
      tpu.enqueue_dma source(%dma_start3A_18 : memref<20480xi32, #tpu.memory_space<hbm>>) target(%arg7 : memref<20480xi32, #tpu.memory_space<vmem>>) target_semaphore(%run_scoped3A : memref<!tpu.dma_semaphore, #tpu.memory_space<semaphore_mem>>)
      %dma_wait3A = tpu.memref_slice %arg2[%mul3A_4] : memref<655360xi32, #tpu.memory_space<hbm>> -> memref<20480xi32, #tpu.memory_space<hbm>>
      %dma_wait3A_19 = tpu.memref_slice %arg2[%mul3A_4] : memref<655360xi32, #tpu.memory_space<hbm>> -> memref<20480xi32, #tpu.memory_space<hbm>>
      tpu.wait_dma2 semaphore(%run_scoped3A : memref<!tpu.dma_semaphore, #tpu.memory_space<semaphore_mem>>) src(%dma_wait3A_19 : memref<20480xi32, #tpu.memory_space<hbm>>) dst(%arg7 : memref<20480xi32, #tpu.memory_space<vmem>>)
      tpu.yield
    }) : () -> ()
    "tpu.region"() ({
      %run_scoped3A = tpu.sem_alloc : memref<!tpu.dma_semaphore, #tpu.memory_space<semaphore_mem>>
      tpu.enqueue_dma source(%arg5 : memref<10240xf32, #tpu.memory_space<hbm>>) target(%arg9 : memref<10240xf32, #tpu.memory_space<vmem>>) target_semaphore(%run_scoped3A : memref<!tpu.dma_semaphore, #tpu.memory_space<semaphore_mem>>)
      tpu.wait_dma2 semaphore(%run_scoped3A : memref<!tpu.dma_semaphore, #tpu.memory_space<semaphore_mem>>) src(%arg5 : memref<10240xf32, #tpu.memory_space<hbm>>) dst(%arg9 : memref<10240xf32, #tpu.memory_space<vmem>>)
      tpu.yield
    }) : () -> ()
    %scan3A = arith.constant 0 : i32
    %scan3A_5 = arith.constant 640 : i32
    %scan3A_6 = arith.addi %scan3A, %scan3A_5 : i32
    %scan3A_7 = arith.constant 1 : i32
    scf.for %scan3A_18 = %scan3A to %scan3A_6 step %scan3A_7  : i32 {
      %mul3A_19 = arith.constant 1 : i32
      %mul3A_20 = arith.muli %scan3A_18, %mul3A_19 : i32
      %add3A_21 = arith.constant 0 : i32
      %add3A_22 = arith.addi %add3A_21, %mul3A_20 : i32
      %mul3A_23 = arith.constant 16 : i32
      %mul3A_24 = arith.muli %add3A_22, %mul3A_23 : i32
      %get3A = arith.index_cast %mul3A_24 : i32 to index
      %get3A_25 = tpu.vector_load %arg9[%get3A] {strides = array<i32>} : memref<10240xf32, #tpu.memory_space<vmem>>, vector<16xf32>,
      %mul3A_26 = arith.constant 16 : i32
      %mul3A_27 = arith.muli %add3A_22, %mul3A_26 : i32
      %get3A_28 = arith.index_cast %mul3A_27 : i32 to index
      %get3A_29 = tpu.vector_load %arg7[%get3A_28] {strides = array<i32>} : memref<20480xi32, #tpu.memory_space<vmem>>, vector<16xi32>,
      %shift_left3A = arith.constant 16 : i32
      %shift_left3A_30 = vector.broadcast %shift_left3A : i32 to vector<16xi32>
      %shift_left3A_31 = arith.shli %get3A_29, %shift_left3A_30 : vector<16xi32>
      %bitcast_convert_type3A = tpu.bitcast %shift_left3A_31 : vector<16xi32> -> vector<16xf32>
      %and3A = arith.constant -65536 : i32
      %and3A_32 = vector.broadcast %and3A : i32 to vector<16xi32>
      %and3A_33 = arith.andi %get3A_29, %and3A_32 : vector<16xi32>
      %bitcast_convert_type3A_34 = tpu.bitcast %and3A_33 : vector<16xi32> -> vector<16xf32>
      %mul3A_35 = arith.constant 16 : i32
      %mul3A_36 = arith.muli %add3A_22, %mul3A_35 : i32
      %add3A_37 = arith.constant 10240 : i32
      %add3A_38 = arith.addi %add3A_37, %mul3A_36 : i32
      %get3A_39 = arith.index_cast %add3A_38 : i32 to index
      %get3A_40 = tpu.vector_load %arg7[%get3A_39] {strides = array<i32>} : memref<20480xi32, #tpu.memory_space<vmem>>, vector<16xi32>,
      %shift_left3A_41 = arith.constant 16 : i32
      %shift_left3A_42 = vector.broadcast %shift_left3A_41 : i32 to vector<16xi32>
      %shift_left3A_43 = arith.shli %get3A_40, %shift_left3A_42 : vector<16xi32>
      %bitcast_convert_type3A_44 = tpu.bitcast %shift_left3A_43 : vector<16xi32> -> vector<16xf32>
      %and3A_45 = arith.constant -65536 : i32
      %and3A_46 = vector.broadcast %and3A_45 : i32 to vector<16xi32>
      %and3A_47 = arith.andi %get3A_40, %and3A_46 : vector<16xi32>
      %bitcast_convert_type3A_48 = tpu.bitcast %and3A_47 : vector<16xi32> -> vector<16xf32>
      %mul3A_49 = arith.mulf %bitcast_convert_type3A, %get3A_25 : vector<16xf32>
      %mul3A_50 = arith.constant 16 : i32
      %mul3A_51 = arith.muli %add3A_22, %mul3A_50 : i32
      %swap3A = arith.index_cast %mul3A_51 : i32 to index
      %swap3A_52 = tpu.vector_load %arg8[%swap3A] {strides = array<i32>} : memref<40960xf32, #tpu.memory_space<vmem>>, vector<16xf32>,
      tpu.vector_store %arg8[%swap3A], %mul3A_49 {strides = array<i32>} : memref<40960xf32, #tpu.memory_space<vmem>>, vector<16xf32>,
      %mul3A_53 = arith.mulf %bitcast_convert_type3A_34, %get3A_25 : vector<16xf32>
      %mul3A_54 = arith.constant 16 : i32
      %mul3A_55 = arith.muli %add3A_22, %mul3A_54 : i32
      %add3A_56 = arith.constant 10240 : i32
      %add3A_57 = arith.addi %add3A_56, %mul3A_55 : i32
      %swap3A_58 = arith.index_cast %add3A_57 : i32 to index
      %swap3A_59 = tpu.vector_load %arg8[%swap3A_58] {strides = array<i32>} : memref<40960xf32, #tpu.memory_space<vmem>>, vector<16xf32>,
      tpu.vector_store %arg8[%swap3A_58], %mul3A_53 {strides = array<i32>} : memref<40960xf32, #tpu.memory_space<vmem>>, vector<16xf32>,
      %mul3A_60 = arith.mulf %bitcast_convert_type3A_44, %get3A_25 : vector<16xf32>
      %mul3A_61 = arith.constant 16 : i32
      %mul3A_62 = arith.muli %add3A_22, %mul3A_61 : i32
      %add3A_63 = arith.constant 20480 : i32
      %add3A_64 = arith.addi %add3A_63, %mul3A_62 : i32
      %swap3A_65 = arith.index_cast %add3A_64 : i32 to index
      %swap3A_66 = tpu.vector_load %arg8[%swap3A_65] {strides = array<i32>} : memref<40960xf32, #tpu.memory_space<vmem>>, vector<16xf32>,
      tpu.vector_store %arg8[%swap3A_65], %mul3A_60 {strides = array<i32>} : memref<40960xf32, #tpu.memory_space<vmem>>, vector<16xf32>,
      %mul3A_67 = arith.mulf %bitcast_convert_type3A_48, %get3A_25 : vector<16xf32>
      %mul3A_68 = arith.constant 16 : i32
      %mul3A_69 = arith.muli %add3A_22, %mul3A_68 : i32
      %add3A_70 = arith.constant 30720 : i32
      %add3A_71 = arith.addi %add3A_70, %mul3A_69 : i32
      %swap3A_72 = arith.index_cast %add3A_71 : i32 to index
      %swap3A_73 = tpu.vector_load %arg8[%swap3A_72] {strides = array<i32>} : memref<40960xf32, #tpu.memory_space<vmem>>, vector<16xf32>,
      tpu.vector_store %arg8[%swap3A_72], %mul3A_67 {strides = array<i32>} : memref<40960xf32, #tpu.memory_space<vmem>>, vector<16xf32>,
    }
    %scan3A_8 = arith.constant 640 : i32
    %scan3A_9 = arith.constant 0 : i32
    %scan3A_10 = arith.constant 40 : i32
    %scan3A_11 = arith.addi %scan3A_9, %scan3A_10 : i32
    %scan3A_12 = arith.constant 1 : i32
    scf.for %scan3A_18 = %scan3A_9 to %scan3A_11 step %scan3A_12  : i32 {
      %mul3A_19 = arith.constant 1 : i32
      %mul3A_20 = arith.muli %scan3A_18, %mul3A_19 : i32
      %add3A_21 = arith.constant 0 : i32
      %add3A_22 = arith.addi %add3A_21, %mul3A_20 : i32
      %mul3A_23 = arith.constant 8000 : i32
      %mul3A_24 = arith.muli %add3A_22, %mul3A_23 : i32
      "tpu.region"() ({
        %run_scoped3A = tpu.sem_alloc : memref<!tpu.dma_semaphore, #tpu.memory_space<semaphore_mem>>
        %dma_start3A = tpu.memref_slice %arg3[%mul3A_24] : memref<320000xi32, #tpu.memory_space<hbm>> -> memref<8000xi32, #tpu.memory_space<hbm>>
        %dma_start3A_27 = tpu.memref_slice %arg3[%mul3A_24] : memref<320000xi32, #tpu.memory_space<hbm>> -> memref<8000xi32, #tpu.memory_space<hbm>>
        tpu.enqueue_dma source(%dma_start3A_27 : memref<8000xi32, #tpu.memory_space<hbm>>) target(%arg10 : memref<8000xi32, #tpu.memory_space<vmem>>) target_semaphore(%run_scoped3A : memref<!tpu.dma_semaphore, #tpu.memory_space<semaphore_mem>>)
        %dma_wait3A = tpu.memref_slice %arg3[%mul3A_24] : memref<320000xi32, #tpu.memory_space<hbm>> -> memref<8000xi32, #tpu.memory_space<hbm>>
        %dma_wait3A_28 = tpu.memref_slice %arg3[%mul3A_24] : memref<320000xi32, #tpu.memory_space<hbm>> -> memref<8000xi32, #tpu.memory_space<hbm>>
        tpu.wait_dma2 semaphore(%run_scoped3A : memref<!tpu.dma_semaphore, #tpu.memory_space<semaphore_mem>>) src(%dma_wait3A_28 : memref<8000xi32, #tpu.memory_space<hbm>>) dst(%arg10 : memref<8000xi32, #tpu.memory_space<vmem>>)
        tpu.yield
      }) : () -> ()
      "tpu.region"() ({
        %run_scoped3A = tpu.sem_alloc : memref<!tpu.dma_semaphore, #tpu.memory_space<semaphore_mem>>
        %dma_start3A = tpu.memref_slice %arg4[%mul3A_24] : memref<320000xf32, #tpu.memory_space<hbm>> -> memref<8000xf32, #tpu.memory_space<hbm>>
        %dma_start3A_27 = tpu.memref_slice %arg4[%mul3A_24] : memref<320000xf32, #tpu.memory_space<hbm>> -> memref<8000xf32, #tpu.memory_space<hbm>>
        tpu.enqueue_dma source(%dma_start3A_27 : memref<8000xf32, #tpu.memory_space<hbm>>) target(%arg11 : memref<8000xf32, #tpu.memory_space<vmem>>) target_semaphore(%run_scoped3A : memref<!tpu.dma_semaphore, #tpu.memory_space<semaphore_mem>>)
        %dma_wait3A = tpu.memref_slice %arg4[%mul3A_24] : memref<320000xf32, #tpu.memory_space<hbm>> -> memref<8000xf32, #tpu.memory_space<hbm>>
        %dma_wait3A_28 = tpu.memref_slice %arg4[%mul3A_24] : memref<320000xf32, #tpu.memory_space<hbm>> -> memref<8000xf32, #tpu.memory_space<hbm>>
        tpu.wait_dma2 semaphore(%run_scoped3A : memref<!tpu.dma_semaphore, #tpu.memory_space<semaphore_mem>>) src(%dma_wait3A_28 : memref<8000xf32, #tpu.memory_space<hbm>>) dst(%arg11 : memref<8000xf32, #tpu.memory_space<vmem>>)
        tpu.yield
      }) : () -> ()
      %parallel_loop3A = arith.constant 0 : i32
      %parallel_loop3A_25 = arith.constant 500 : i32
      %parallel_loop3A_26 = arith.constant 1 : i32
      scf.for %parallel_loop3A_27 = %parallel_loop3A to %parallel_loop3A_25 step %parallel_loop3A_26  : i32 {
        %parallel_loop3A_28 = arith.constant 16 : i32
        %parallel_loop3A_29 = arith.muli %parallel_loop3A_27, %parallel_loop3A_28 : i32
        %parallel_loop3A_30 = arith.index_cast %parallel_loop3A_29 : i32 to index
        %parallel_loop3A_31 = tpu.vector_load %arg10[%parallel_loop3A_30] {strides = array<i32>} : memref<8000xi32, #tpu.memory_space<vmem>>, vector<16xi32>,
        %parallel_loop3A_32 = arith.constant 16383 : i32
        %parallel_loop3A_33 = vector.broadcast %parallel_loop3A_32 : i32 to vector<16xi32>
        %parallel_loop3A_34 = arith.andi %parallel_loop3A_31, %parallel_loop3A_33 : vector<16xi32>
        %parallel_loop3A_35 = arith.constant 14 : i32
        %parallel_loop3A_36 = vector.broadcast %parallel_loop3A_35 : i32 to vector<16xi32>
        %parallel_loop3A_37 = arith.shrui %parallel_loop3A_31, %parallel_loop3A_36 : vector<16xi32>
        %parallel_loop3A_38 = arith.index_cast %parallel_loop3A_29 : i32 to index
        %parallel_loop3A_39 = tpu.vector_load %arg11[%parallel_loop3A_38] {strides = array<i32>} : memref<8000xf32, #tpu.memory_space<vmem>>, vector<16xf32>,
        %parallel_loop3A_40 = tpu.vector_load_idx %arg7[%parallel_loop3A_34] : memref<20480xi32, #tpu.memory_space<vmem>>[vector<16xi32>], vector<16xi32>,
        %parallel_loop3A_41 = arith.constant 10240 : i32
        %parallel_loop3A_42 = vector.broadcast %parallel_loop3A_41 : i32 to vector<16xi32>
        %parallel_loop3A_43 = arith.addi %parallel_loop3A_34, %parallel_loop3A_42 : vector<16xi32>
        %parallel_loop3A_44 = tpu.vector_load_idx %arg7[%parallel_loop3A_43] : memref<20480xi32, #tpu.memory_space<vmem>>[vector<16xi32>], vector<16xi32>,
        %parallel_loop3A_45 = arith.constant 16 : i32
        %parallel_loop3A_46 = vector.broadcast %parallel_loop3A_45 : i32 to vector<16xi32>
        %parallel_loop3A_47 = arith.shli %parallel_loop3A_40, %parallel_loop3A_46 : vector<16xi32>
        %parallel_loop3A_48 = tpu.bitcast %parallel_loop3A_47 : vector<16xi32> -> vector<16xf32>
        %parallel_loop3A_49 = arith.constant -65536 : i32
        %parallel_loop3A_50 = vector.broadcast %parallel_loop3A_49 : i32 to vector<16xi32>
        %parallel_loop3A_51 = arith.andi %parallel_loop3A_40, %parallel_loop3A_50 : vector<16xi32>
        %parallel_loop3A_52 = tpu.bitcast %parallel_loop3A_51 : vector<16xi32> -> vector<16xf32>
        %parallel_loop3A_53 = arith.constant 16 : i32
        %parallel_loop3A_54 = vector.broadcast %parallel_loop3A_53 : i32 to vector<16xi32>
        %parallel_loop3A_55 = arith.shli %parallel_loop3A_44, %parallel_loop3A_54 : vector<16xi32>
        %parallel_loop3A_56 = tpu.bitcast %parallel_loop3A_55 : vector<16xi32> -> vector<16xf32>
        %parallel_loop3A_57 = arith.constant -65536 : i32
        %parallel_loop3A_58 = vector.broadcast %parallel_loop3A_57 : i32 to vector<16xi32>
        %parallel_loop3A_59 = arith.andi %parallel_loop3A_44, %parallel_loop3A_58 : vector<16xi32>
        %parallel_loop3A_60 = tpu.bitcast %parallel_loop3A_59 : vector<16xi32> -> vector<16xf32>
        %parallel_loop3A_61 = arith.constant 10240 : i32
        %parallel_loop3A_62 = vector.broadcast %parallel_loop3A_61 : i32 to vector<16xi32>
        %parallel_loop3A_63 = arith.addi %parallel_loop3A_37, %parallel_loop3A_62 : vector<16xi32>
        %parallel_loop3A_64 = arith.constant 10240 : i32
        %parallel_loop3A_65 = vector.broadcast %parallel_loop3A_64 : i32 to vector<16xi32>
        %parallel_loop3A_66 = arith.addi %parallel_loop3A_63, %parallel_loop3A_65 : vector<16xi32>
        %parallel_loop3A_67 = arith.constant 10240 : i32
        %parallel_loop3A_68 = vector.broadcast %parallel_loop3A_67 : i32 to vector<16xi32>
        %parallel_loop3A_69 = arith.addi %parallel_loop3A_66, %parallel_loop3A_68 : vector<16xi32>
        %parallel_loop3A_70 = arith.mulf %parallel_loop3A_48, %parallel_loop3A_39 : vector<16xf32>
        tpu.vector_store_idx %arg8[%parallel_loop3A_37], %parallel_loop3A_70 {add = true} : memref<40960xf32, #tpu.memory_space<vmem>>[vector<16xi32>], vector<16xf32>,
        %parallel_loop3A_71 = arith.mulf %parallel_loop3A_52, %parallel_loop3A_39 : vector<16xf32>
        tpu.vector_store_idx %arg8[%parallel_loop3A_63], %parallel_loop3A_71 {add = true} : memref<40960xf32, #tpu.memory_space<vmem>>[vector<16xi32>], vector<16xf32>,
        %parallel_loop3A_72 = arith.mulf %parallel_loop3A_56, %parallel_loop3A_39 : vector<16xf32>
        tpu.vector_store_idx %arg8[%parallel_loop3A_66], %parallel_loop3A_72 {add = true} : memref<40960xf32, #tpu.memory_space<vmem>>[vector<16xi32>], vector<16xf32>,
        %parallel_loop3A_73 = arith.mulf %parallel_loop3A_60, %parallel_loop3A_39 : vector<16xf32>
        tpu.vector_store_idx %arg8[%parallel_loop3A_69], %parallel_loop3A_73 {add = true} : memref<40960xf32, #tpu.memory_space<vmem>>[vector<16xi32>], vector<16xf32>,
      } {sc.loop_unroll_factor = 8 : i64, sc.parallel_access}
    }
    %scan3A_13 = arith.constant 40 : i32
    %mul3A_14 = arith.constant 4 : i32
    %mul3A_15 = arith.muli %add3A, %mul3A_14 : i32
    %mul3A_16 = arith.constant 10240 : i32
    %mul3A_17 = arith.muli %mul3A_15, %mul3A_16 : i32
    "tpu.region"() ({
      %run_scoped3A = tpu.sem_alloc : memref<!tpu.dma_semaphore, #tpu.memory_space<semaphore_mem>>
      %dma_start3A = tpu.memref_slice %arg6[%mul3A_17] : memref<1310720xf32, #tpu.memory_space<hbm>> -> memref<40960xf32, #tpu.memory_space<hbm>>
      %dma_start3A_18 = tpu.memref_slice %arg6[%mul3A_17] : memref<1310720xf32, #tpu.memory_space<hbm>> -> memref<40960xf32, #tpu.memory_space<hbm>>
      tpu.enqueue_dma source(%arg8 : memref<40960xf32, #tpu.memory_space<vmem>>) target(%dma_start3A_18 : memref<40960xf32, #tpu.memory_space<hbm>>) target_semaphore(%run_scoped3A : memref<!tpu.dma_semaphore, #tpu.memory_space<semaphore_mem>>)
      %dma_wait3A = tpu.memref_slice %arg6[%mul3A_17] : memref<1310720xf32, #tpu.memory_space<hbm>> -> memref<40960xf32, #tpu.memory_space<hbm>>
      %dma_wait3A_19 = tpu.memref_slice %arg6[%mul3A_17] : memref<1310720xf32, #tpu.memory_space<hbm>> -> memref<40960xf32, #tpu.memory_space<hbm>>
      tpu.wait_dma2 semaphore(%run_scoped3A : memref<!tpu.dma_semaphore, #tpu.memory_space<semaphore_mem>>) src(%arg8 : memref<40960xf32, #tpu.memory_space<vmem>>) dst(%dma_wait3A_19 : memref<40960xf32, #tpu.memory_space<hbm>>)
      tpu.yield
    }) : () -> ()
    return
  }
}

#map = affine_map<(d0, d1) -> (0, 0)>
#map1 = affine_map<(d0, d1) -> (0)>
module attributes {stable_mosaic.version = 14 : i64} {
  func.func @_norm_kernel(%arg0: i32, %arg1: i32, %arg2: memref<2x10240xf32, #tpu.memory_space<hbm>>, %arg3: memref<320000xi32, #tpu.memory_space<hbm>>, %arg4: memref<320000xf32, #tpu.memory_space<hbm>>, %arg5: memref<320000xf32, #tpu.memory_space<hbm>>, %arg6: memref<10240xf32, #tpu.memory_space<hbm>>, %arg7: memref<2x10240xf32, #tpu.memory_space<vmem>>, %arg8: memref<10240xf32, #tpu.memory_space<vmem>>, %arg9: memref<10000xi32, #tpu.memory_space<vmem>>, %arg10: memref<10000xf32, #tpu.memory_space<vmem>>, %arg11: memref<10000xf32, #tpu.memory_space<vmem>>, %arg12: memref<320xf32, #tpu.memory_space<vmem>>) attributes {dimension_semantics = [#tpu.dimension_semantics<core_parallel>, #tpu.dimension_semantics<subcore_parallel>], iteration_bounds = array<i64: 2, 16>, scalar_prefetch = 0 : i64, scratch_operands = 6 : i64, tpu.core_type = #tpu.core_type<sc_vector_subcore>, window_params = [{transform_indices = #map}, {transform_indices = #map1}, {transform_indices = #map1}, {transform_indices = #map1}, {transform_indices = #map1}]} {
    %mul3A = arith.constant 16 : i32
    %mul3A_0 = arith.muli %arg0, %mul3A : i32
    %add3A = arith.addi %mul3A_0, %arg1 : i32
    "tpu.region"() ({
      %run_scoped3A = tpu.sem_alloc : memref<!tpu.dma_semaphore, #tpu.memory_space<semaphore_mem>>
      tpu.enqueue_dma source(%arg2 : memref<2x10240xf32, #tpu.memory_space<hbm>>) target(%arg7 : memref<2x10240xf32, #tpu.memory_space<vmem>>) target_semaphore(%run_scoped3A : memref<!tpu.dma_semaphore, #tpu.memory_space<semaphore_mem>>)
      tpu.wait_dma2 semaphore(%run_scoped3A : memref<!tpu.dma_semaphore, #tpu.memory_space<semaphore_mem>>) src(%arg2 : memref<2x10240xf32, #tpu.memory_space<hbm>>) dst(%arg7 : memref<2x10240xf32, #tpu.memory_space<vmem>>)
      tpu.yield
    }) : () -> ()
    %scan3A = arith.constant 0 : i32
    %scan3A_1 = arith.constant 640 : i32
    %scan3A_2 = arith.addi %scan3A, %scan3A_1 : i32
    %scan3A_3 = arith.constant 1 : i32
    scf.for %scan3A_42 = %scan3A to %scan3A_2 step %scan3A_3  : i32 {
      %mul3A_43 = arith.constant 1 : i32
      %mul3A_44 = arith.muli %scan3A_42, %mul3A_43 : i32
      %add3A_45 = arith.constant 0 : i32
      %add3A_46 = arith.addi %add3A_45, %mul3A_44 : i32
      %mul3A_47 = arith.constant 16 : i32
      %mul3A_48 = arith.muli %add3A_46, %mul3A_47 : i32
      %get3A_49 = arith.constant 0 : i32
      %get3A_50 = arith.index_cast %get3A_49 : i32 to index
      %get3A_51 = arith.index_cast %mul3A_48 : i32 to index
      %get3A_52 = tpu.vector_load %arg7[%get3A_50, %get3A_51] {strides = array<i32>} : memref<2x10240xf32, #tpu.memory_space<vmem>>, vector<16xf32>,
      %get3A_53 = arith.constant 1 : i32
      %get3A_54 = arith.index_cast %get3A_53 : i32 to index
      %get3A_55 = arith.index_cast %mul3A_48 : i32 to index
      %get3A_56 = tpu.vector_load %arg7[%get3A_54, %get3A_55] {strides = array<i32>} : memref<2x10240xf32, #tpu.memory_space<vmem>>, vector<16xf32>,
      %add3A_57 = arith.addf %get3A_52, %get3A_56 : vector<16xf32>
      %add3A_58 = arith.constant 1.000000e+00 : f32
      %add3A_59 = vector.broadcast %add3A_58 : f32 to vector<16xf32>
      %add3A_60 = arith.addf %add3A_57, %add3A_59 : vector<16xf32>
      %bitcast_convert_type3A = tpu.bitcast %add3A_60 : vector<16xf32> -> vector<16xi32>
      %shift_right_arithmetic3A = arith.constant 1 : i32
      %shift_right_arithmetic3A_61 = vector.broadcast %shift_right_arithmetic3A : i32 to vector<16xi32>
      %shift_right_arithmetic3A_62 = arith.shrsi %bitcast_convert_type3A, %shift_right_arithmetic3A_61 : vector<16xi32>
      %sub3A = arith.constant 1597463007 : i32
      %sub3A_63 = vector.broadcast %sub3A : i32 to vector<16xi32>
      %sub3A_64 = arith.subi %sub3A_63, %shift_right_arithmetic3A_62 : vector<16xi32>
      %bitcast_convert_type3A_65 = tpu.bitcast %sub3A_64 : vector<16xi32> -> vector<16xf32>
      %mul3A_66 = arith.constant 5.000000e-01 : f32
      %mul3A_67 = vector.broadcast %mul3A_66 : f32 to vector<16xf32>
      %mul3A_68 = arith.mulf %mul3A_67, %add3A_60 : vector<16xf32>
      %mul3A_69 = arith.mulf %mul3A_68, %bitcast_convert_type3A_65 : vector<16xf32>
      %mul3A_70 = arith.mulf %mul3A_69, %bitcast_convert_type3A_65 : vector<16xf32>
      %sub3A_71 = arith.constant 1.500000e+00 : f32
      %sub3A_72 = vector.broadcast %sub3A_71 : f32 to vector<16xf32>
      %sub3A_73 = arith.subf %sub3A_72, %mul3A_70 : vector<16xf32>
      %mul3A_74 = arith.mulf %bitcast_convert_type3A_65, %sub3A_73 : vector<16xf32>
      %mul3A_75 = arith.mulf %mul3A_68, %mul3A_74 : vector<16xf32>
      %mul3A_76 = arith.mulf %mul3A_75, %mul3A_74 : vector<16xf32>
      %sub3A_77 = arith.constant 1.500000e+00 : f32
      %sub3A_78 = vector.broadcast %sub3A_77 : f32 to vector<16xf32>
      %sub3A_79 = arith.subf %sub3A_78, %mul3A_76 : vector<16xf32>
      %mul3A_80 = arith.mulf %mul3A_74, %sub3A_79 : vector<16xf32>
      %mul3A_81 = arith.mulf %mul3A_68, %mul3A_80 : vector<16xf32>
      %mul3A_82 = arith.mulf %mul3A_81, %mul3A_80 : vector<16xf32>
      %sub3A_83 = arith.constant 1.500000e+00 : f32
      %sub3A_84 = vector.broadcast %sub3A_83 : f32 to vector<16xf32>
      %sub3A_85 = arith.subf %sub3A_84, %mul3A_82 : vector<16xf32>
      %mul3A_86 = arith.mulf %mul3A_80, %sub3A_85 : vector<16xf32>
      %min3A = arith.constant 1.000000e+04 : f32
      %min3A_87 = vector.broadcast %min3A : f32 to vector<16xf32>
      %min3A_88 = arith.minimumf %mul3A_86, %min3A_87 : vector<16xf32>
      %swap3A_89 = arith.index_cast %mul3A_48 : i32 to index
      %swap3A_90 = tpu.vector_load %arg8[%swap3A_89] {strides = array<i32>} : memref<10240xf32, #tpu.memory_space<vmem>>, vector<16xf32>,
      tpu.vector_store %arg8[%swap3A_89], %min3A_88 {strides = array<i32>} : memref<10240xf32, #tpu.memory_space<vmem>>, vector<16xf32>,
    }
    %scan3A_4 = arith.constant 640 : i32
    %mul3A_5 = arith.constant 320 : i32
    %mul3A_6 = arith.muli %add3A, %mul3A_5 : i32
    %scan3A_7 = arith.constant 0 : i32
    %scan3A_8 = arith.constant 20 : i32
    %scan3A_9 = arith.addi %scan3A_7, %scan3A_8 : i32
    %scan3A_10 = arith.constant 1 : i32
    scf.for %scan3A_42 = %scan3A_7 to %scan3A_9 step %scan3A_10  : i32 {
      %mul3A_43 = arith.constant 1 : i32
      %mul3A_44 = arith.muli %scan3A_42, %mul3A_43 : i32
      %add3A_45 = arith.constant 0 : i32
      %add3A_46 = arith.addi %add3A_45, %mul3A_44 : i32
      %mul3A_47 = arith.constant 16 : i32
      %mul3A_48 = arith.muli %add3A_46, %mul3A_47 : i32
      %add3A_49 = arith.addi %mul3A_6, %mul3A_48 : i32
      %get3A_50 = arith.index_cast %add3A_49 : i32 to index
      %get3A_51 = tpu.vector_load %arg8[%get3A_50] {strides = array<i32>} : memref<10240xf32, #tpu.memory_space<vmem>>, vector<16xf32>,
      %mul3A_52 = arith.mulf %get3A_51, %get3A_51 : vector<16xf32>
      %mul3A_53 = arith.constant 16 : i32
      %mul3A_54 = arith.muli %add3A_46, %mul3A_53 : i32
      %swap3A_55 = arith.index_cast %mul3A_54 : i32 to index
      %swap3A_56 = tpu.vector_load %arg12[%swap3A_55] {strides = array<i32>} : memref<320xf32, #tpu.memory_space<vmem>>, vector<16xf32>,
      tpu.vector_store %arg12[%swap3A_55], %mul3A_52 {strides = array<i32>} : memref<320xf32, #tpu.memory_space<vmem>>, vector<16xf32>,
    }
    %scan3A_11 = arith.constant 20 : i32
    "tpu.region"() ({
      %run_scoped3A = tpu.sem_alloc : memref<!tpu.dma_semaphore, #tpu.memory_space<semaphore_mem>>
      %dma_start3A = tpu.memref_slice %arg6[%mul3A_6] : memref<10240xf32, #tpu.memory_space<hbm>> -> memref<320xf32, #tpu.memory_space<hbm>>
      %dma_start3A_42 = tpu.memref_slice %arg6[%mul3A_6] : memref<10240xf32, #tpu.memory_space<hbm>> -> memref<320xf32, #tpu.memory_space<hbm>>
      tpu.enqueue_dma source(%arg12 : memref<320xf32, #tpu.memory_space<vmem>>) target(%dma_start3A_42 : memref<320xf32, #tpu.memory_space<hbm>>) target_semaphore(%run_scoped3A : memref<!tpu.dma_semaphore, #tpu.memory_space<semaphore_mem>>)
      %dma_wait3A = tpu.memref_slice %arg6[%mul3A_6] : memref<10240xf32, #tpu.memory_space<hbm>> -> memref<320xf32, #tpu.memory_space<hbm>>
      %dma_wait3A_43 = tpu.memref_slice %arg6[%mul3A_6] : memref<10240xf32, #tpu.memory_space<hbm>> -> memref<320xf32, #tpu.memory_space<hbm>>
      tpu.wait_dma2 semaphore(%run_scoped3A : memref<!tpu.dma_semaphore, #tpu.memory_space<semaphore_mem>>) src(%arg12 : memref<320xf32, #tpu.memory_space<vmem>>) dst(%dma_wait3A_43 : memref<320xf32, #tpu.memory_space<hbm>>)
      tpu.yield
    }) : () -> ()
    %mul3A_12 = arith.constant 10000 : i32
    %mul3A_13 = arith.muli %add3A, %mul3A_12 : i32
    "tpu.region"() ({
      %run_scoped3A = tpu.sem_alloc : memref<!tpu.dma_semaphore, #tpu.memory_space<semaphore_mem>>
      %dma_start3A = tpu.memref_slice %arg3[%mul3A_13] : memref<320000xi32, #tpu.memory_space<hbm>> -> memref<10000xi32, #tpu.memory_space<hbm>>
      %dma_start3A_42 = tpu.memref_slice %arg3[%mul3A_13] : memref<320000xi32, #tpu.memory_space<hbm>> -> memref<10000xi32, #tpu.memory_space<hbm>>
      tpu.enqueue_dma source(%dma_start3A_42 : memref<10000xi32, #tpu.memory_space<hbm>>) target(%arg9 : memref<10000xi32, #tpu.memory_space<vmem>>) target_semaphore(%run_scoped3A : memref<!tpu.dma_semaphore, #tpu.memory_space<semaphore_mem>>)
      %dma_wait3A = tpu.memref_slice %arg3[%mul3A_13] : memref<320000xi32, #tpu.memory_space<hbm>> -> memref<10000xi32, #tpu.memory_space<hbm>>
      %dma_wait3A_43 = tpu.memref_slice %arg3[%mul3A_13] : memref<320000xi32, #tpu.memory_space<hbm>> -> memref<10000xi32, #tpu.memory_space<hbm>>
      tpu.wait_dma2 semaphore(%run_scoped3A : memref<!tpu.dma_semaphore, #tpu.memory_space<semaphore_mem>>) src(%dma_wait3A_43 : memref<10000xi32, #tpu.memory_space<hbm>>) dst(%arg9 : memref<10000xi32, #tpu.memory_space<vmem>>)
      tpu.yield
    }) : () -> ()
    %mul3A_14 = arith.constant 10000 : i32
    %mul3A_15 = arith.muli %add3A, %mul3A_14 : i32
    "tpu.region"() ({
      %run_scoped3A = tpu.sem_alloc : memref<!tpu.dma_semaphore, #tpu.memory_space<semaphore_mem>>
      %dma_start3A = tpu.memref_slice %arg4[%mul3A_15] : memref<320000xf32, #tpu.memory_space<hbm>> -> memref<10000xf32, #tpu.memory_space<hbm>>
      %dma_start3A_42 = tpu.memref_slice %arg4[%mul3A_15] : memref<320000xf32, #tpu.memory_space<hbm>> -> memref<10000xf32, #tpu.memory_space<hbm>>
      tpu.enqueue_dma source(%dma_start3A_42 : memref<10000xf32, #tpu.memory_space<hbm>>) target(%arg10 : memref<10000xf32, #tpu.memory_space<vmem>>) target_semaphore(%run_scoped3A : memref<!tpu.dma_semaphore, #tpu.memory_space<semaphore_mem>>)
      %dma_wait3A = tpu.memref_slice %arg4[%mul3A_15] : memref<320000xf32, #tpu.memory_space<hbm>> -> memref<10000xf32, #tpu.memory_space<hbm>>
      %dma_wait3A_43 = tpu.memref_slice %arg4[%mul3A_15] : memref<320000xf32, #tpu.memory_space<hbm>> -> memref<10000xf32, #tpu.memory_space<hbm>>
      tpu.wait_dma2 semaphore(%run_scoped3A : memref<!tpu.dma_semaphore, #tpu.memory_space<semaphore_mem>>) src(%dma_wait3A_43 : memref<10000xf32, #tpu.memory_space<hbm>>) dst(%arg10 : memref<10000xf32, #tpu.memory_space<vmem>>)
      tpu.yield
    }) : () -> ()
    %scan3A_16 = arith.constant 0 : i32
    %scan3A_17 = arith.constant 624 : i32
    %scan3A_18 = arith.addi %scan3A_16, %scan3A_17 : i32
    %scan3A_19 = arith.constant 4 : i32
    scf.for %scan3A_42 = %scan3A_16 to %scan3A_18 step %scan3A_19  : i32 {
      %mul3A_43 = arith.constant 1 : i32
      %mul3A_44 = arith.muli %scan3A_42, %mul3A_43 : i32
      %add3A_45 = arith.constant 0 : i32
      %add3A_46 = arith.addi %add3A_45, %mul3A_44 : i32
      %mul3A_47 = arith.constant 16 : i32
      %mul3A_48 = arith.muli %add3A_46, %mul3A_47 : i32
      %get3A_49 = arith.index_cast %mul3A_48 : i32 to index
      %get3A_50 = tpu.vector_load %arg9[%get3A_49] {strides = array<i32>} : memref<10000xi32, #tpu.memory_space<vmem>>, vector<16xi32>,
      %and3A_51 = arith.constant 16383 : i32
      %and3A_52 = vector.broadcast %and3A_51 : i32 to vector<16xi32>
      %and3A_53 = arith.andi %get3A_50, %and3A_52 : vector<16xi32>
      %shift_right_logical3A_54 = arith.constant 14 : i32
      %shift_right_logical3A_55 = vector.broadcast %shift_right_logical3A_54 : i32 to vector<16xi32>
      %shift_right_logical3A_56 = arith.shrui %get3A_50, %shift_right_logical3A_55 : vector<16xi32>
      %gather3A_57 = tpu.vector_load_idx %arg8[%and3A_53] : memref<10240xf32, #tpu.memory_space<vmem>>[vector<16xi32>], vector<16xf32>,
      %get3A_58 = arith.index_cast %mul3A_48 : i32 to index
      %get3A_59 = tpu.vector_load %arg10[%get3A_58] {strides = array<i32>} : memref<10000xf32, #tpu.memory_space<vmem>>, vector<16xf32>,
      %mul3A_60 = arith.mulf %gather3A_57, %get3A_59 : vector<16xf32>
      %gather3A_61 = tpu.vector_load_idx %arg8[%shift_right_logical3A_56] : memref<10240xf32, #tpu.memory_space<vmem>>[vector<16xi32>], vector<16xf32>,
      %mul3A_62 = arith.mulf %mul3A_60, %gather3A_61 : vector<16xf32>
      %swap3A_63 = arith.index_cast %mul3A_48 : i32 to index
      %swap3A_64 = tpu.vector_load %arg11[%swap3A_63] {strides = array<i32>} : memref<10000xf32, #tpu.memory_space<vmem>>, vector<16xf32>,
      tpu.vector_store %arg11[%swap3A_63], %mul3A_62 {strides = array<i32>} : memref<10000xf32, #tpu.memory_space<vmem>>, vector<16xf32>,
      %scan3A_65 = arith.constant 1 : i32
      %scan3A_66 = arith.addi %scan3A_42, %scan3A_65 : i32
      %mul3A_67 = arith.constant 1 : i32
      %mul3A_68 = arith.muli %scan3A_66, %mul3A_67 : i32
      %add3A_69 = arith.constant 0 : i32
      %add3A_70 = arith.addi %add3A_69, %mul3A_68 : i32
      %mul3A_71 = arith.constant 16 : i32
      %mul3A_72 = arith.muli %add3A_70, %mul3A_71 : i32
      %get3A_73 = arith.index_cast %mul3A_72 : i32 to index
      %get3A_74 = tpu.vector_load %arg9[%get3A_73] {strides = array<i32>} : memref<10000xi32, #tpu.memory_space<vmem>>, vector<16xi32>,
      %and3A_75 = arith.constant 16383 : i32
      %and3A_76 = vector.broadcast %and3A_75 : i32 to vector<16xi32>
      %and3A_77 = arith.andi %get3A_74, %and3A_76 : vector<16xi32>
      %shift_right_logical3A_78 = arith.constant 14 : i32
      %shift_right_logical3A_79 = vector.broadcast %shift_right_logical3A_78 : i32 to vector<16xi32>
      %shift_right_logical3A_80 = arith.shrui %get3A_74, %shift_right_logical3A_79 : vector<16xi32>
      %gather3A_81 = tpu.vector_load_idx %arg8[%and3A_77] : memref<10240xf32, #tpu.memory_space<vmem>>[vector<16xi32>], vector<16xf32>,
      %get3A_82 = arith.index_cast %mul3A_72 : i32 to index
      %get3A_83 = tpu.vector_load %arg10[%get3A_82] {strides = array<i32>} : memref<10000xf32, #tpu.memory_space<vmem>>, vector<16xf32>,
      %mul3A_84 = arith.mulf %gather3A_81, %get3A_83 : vector<16xf32>
      %gather3A_85 = tpu.vector_load_idx %arg8[%shift_right_logical3A_80] : memref<10240xf32, #tpu.memory_space<vmem>>[vector<16xi32>], vector<16xf32>,
      %mul3A_86 = arith.mulf %mul3A_84, %gather3A_85 : vector<16xf32>
      %swap3A_87 = arith.index_cast %mul3A_72 : i32 to index
      %swap3A_88 = tpu.vector_load %arg11[%swap3A_87] {strides = array<i32>} : memref<10000xf32, #tpu.memory_space<vmem>>, vector<16xf32>,
      tpu.vector_store %arg11[%swap3A_87], %mul3A_86 {strides = array<i32>} : memref<10000xf32, #tpu.memory_space<vmem>>, vector<16xf32>,
      %scan3A_89 = arith.constant 2 : i32
      %scan3A_90 = arith.addi %scan3A_42, %scan3A_89 : i32
      %mul3A_91 = arith.constant 1 : i32
      %mul3A_92 = arith.muli %scan3A_90, %mul3A_91 : i32
      %add3A_93 = arith.constant 0 : i32
      %add3A_94 = arith.addi %add3A_93, %mul3A_92 : i32
      %mul3A_95 = arith.constant 16 : i32
      %mul3A_96 = arith.muli %add3A_94, %mul3A_95 : i32
      %get3A_97 = arith.index_cast %mul3A_96 : i32 to index
      %get3A_98 = tpu.vector_load %arg9[%get3A_97] {strides = array<i32>} : memref<10000xi32, #tpu.memory_space<vmem>>, vector<16xi32>,
      %and3A_99 = arith.constant 16383 : i32
      %and3A_100 = vector.broadcast %and3A_99 : i32 to vector<16xi32>
      %and3A_101 = arith.andi %get3A_98, %and3A_100 : vector<16xi32>
      %shift_right_logical3A_102 = arith.constant 14 : i32
      %shift_right_logical3A_103 = vector.broadcast %shift_right_logical3A_102 : i32 to vector<16xi32>
      %shift_right_logical3A_104 = arith.shrui %get3A_98, %shift_right_logical3A_103 : vector<16xi32>
      %gather3A_105 = tpu.vector_load_idx %arg8[%and3A_101] : memref<10240xf32, #tpu.memory_space<vmem>>[vector<16xi32>], vector<16xf32>,
      %get3A_106 = arith.index_cast %mul3A_96 : i32 to index
      %get3A_107 = tpu.vector_load %arg10[%get3A_106] {strides = array<i32>} : memref<10000xf32, #tpu.memory_space<vmem>>, vector<16xf32>,
      %mul3A_108 = arith.mulf %gather3A_105, %get3A_107 : vector<16xf32>
      %gather3A_109 = tpu.vector_load_idx %arg8[%shift_right_logical3A_104] : memref<10240xf32, #tpu.memory_space<vmem>>[vector<16xi32>], vector<16xf32>,
      %mul3A_110 = arith.mulf %mul3A_108, %gather3A_109 : vector<16xf32>
      %swap3A_111 = arith.index_cast %mul3A_96 : i32 to index
      %swap3A_112 = tpu.vector_load %arg11[%swap3A_111] {strides = array<i32>} : memref<10000xf32, #tpu.memory_space<vmem>>, vector<16xf32>,
      tpu.vector_store %arg11[%swap3A_111], %mul3A_110 {strides = array<i32>} : memref<10000xf32, #tpu.memory_space<vmem>>, vector<16xf32>,
      %scan3A_113 = arith.constant 3 : i32
      %scan3A_114 = arith.addi %scan3A_42, %scan3A_113 : i32
      %mul3A_115 = arith.constant 1 : i32
      %mul3A_116 = arith.muli %scan3A_114, %mul3A_115 : i32
      %add3A_117 = arith.constant 0 : i32
      %add3A_118 = arith.addi %add3A_117, %mul3A_116 : i32
      %mul3A_119 = arith.constant 16 : i32
      %mul3A_120 = arith.muli %add3A_118, %mul3A_119 : i32
      %get3A_121 = arith.index_cast %mul3A_120 : i32 to index
      %get3A_122 = tpu.vector_load %arg9[%get3A_121] {strides = array<i32>} : memref<10000xi32, #tpu.memory_space<vmem>>, vector<16xi32>,
      %and3A_123 = arith.constant 16383 : i32
      %and3A_124 = vector.broadcast %and3A_123 : i32 to vector<16xi32>
      %and3A_125 = arith.andi %get3A_122, %and3A_124 : vector<16xi32>
      %shift_right_logical3A_126 = arith.constant 14 : i32
      %shift_right_logical3A_127 = vector.broadcast %shift_right_logical3A_126 : i32 to vector<16xi32>
      %shift_right_logical3A_128 = arith.shrui %get3A_122, %shift_right_logical3A_127 : vector<16xi32>
      %gather3A_129 = tpu.vector_load_idx %arg8[%and3A_125] : memref<10240xf32, #tpu.memory_space<vmem>>[vector<16xi32>], vector<16xf32>,
      %get3A_130 = arith.index_cast %mul3A_120 : i32 to index
      %get3A_131 = tpu.vector_load %arg10[%get3A_130] {strides = array<i32>} : memref<10000xf32, #tpu.memory_space<vmem>>, vector<16xf32>,
      %mul3A_132 = arith.mulf %gather3A_129, %get3A_131 : vector<16xf32>
      %gather3A_133 = tpu.vector_load_idx %arg8[%shift_right_logical3A_128] : memref<10240xf32, #tpu.memory_space<vmem>>[vector<16xi32>], vector<16xf32>,
      %mul3A_134 = arith.mulf %mul3A_132, %gather3A_133 : vector<16xf32>
      %swap3A_135 = arith.index_cast %mul3A_120 : i32 to index
      %swap3A_136 = tpu.vector_load %arg11[%swap3A_135] {strides = array<i32>} : memref<10000xf32, #tpu.memory_space<vmem>>, vector<16xf32>,
      tpu.vector_store %arg11[%swap3A_135], %mul3A_134 {strides = array<i32>} : memref<10000xf32, #tpu.memory_space<vmem>>, vector<16xf32>,
    }
    %scan3A_20 = arith.constant 624 : i32
    %scan3A_21 = arith.addi %scan3A_16, %scan3A_20 : i32
    %mul3A_22 = arith.constant 1 : i32
    %mul3A_23 = arith.muli %scan3A_21, %mul3A_22 : i32
    %add3A_24 = arith.constant 0 : i32
    %add3A_25 = arith.addi %add3A_24, %mul3A_23 : i32
    %mul3A_26 = arith.constant 16 : i32
    %mul3A_27 = arith.muli %add3A_25, %mul3A_26 : i32
    %get3A = arith.index_cast %mul3A_27 : i32 to index
    %get3A_28 = tpu.vector_load %arg9[%get3A] {strides = array<i32>} : memref<10000xi32, #tpu.memory_space<vmem>>, vector<16xi32>,
    %and3A = arith.constant 16383 : i32
    %and3A_29 = vector.broadcast %and3A : i32 to vector<16xi32>
    %and3A_30 = arith.andi %get3A_28, %and3A_29 : vector<16xi32>
    %shift_right_logical3A = arith.constant 14 : i32
    %shift_right_logical3A_31 = vector.broadcast %shift_right_logical3A : i32 to vector<16xi32>
    %shift_right_logical3A_32 = arith.shrui %get3A_28, %shift_right_logical3A_31 : vector<16xi32>
    %gather3A = tpu.vector_load_idx %arg8[%and3A_30] : memref<10240xf32, #tpu.memory_space<vmem>>[vector<16xi32>], vector<16xf32>,
    %get3A_33 = arith.index_cast %mul3A_27 : i32 to index
    %get3A_34 = tpu.vector_load %arg10[%get3A_33] {strides = array<i32>} : memref<10000xf32, #tpu.memory_space<vmem>>, vector<16xf32>,
    %mul3A_35 = arith.mulf %gather3A, %get3A_34 : vector<16xf32>
    %gather3A_36 = tpu.vector_load_idx %arg8[%shift_right_logical3A_32] : memref<10240xf32, #tpu.memory_space<vmem>>[vector<16xi32>], vector<16xf32>,
    %mul3A_37 = arith.mulf %mul3A_35, %gather3A_36 : vector<16xf32>
    %swap3A = arith.index_cast %mul3A_27 : i32 to index
    %swap3A_38 = tpu.vector_load %arg11[%swap3A] {strides = array<i32>} : memref<10000xf32, #tpu.memory_space<vmem>>, vector<16xf32>,
    tpu.vector_store %arg11[%swap3A], %mul3A_37 {strides = array<i32>} : memref<10000xf32, #tpu.memory_space<vmem>>, vector<16xf32>,
    %scan3A_39 = arith.constant 625 : i32
    %mul3A_40 = arith.constant 10000 : i32
    %mul3A_41 = arith.muli %add3A, %mul3A_40 : i32
    "tpu.region"() ({
      %run_scoped3A = tpu.sem_alloc : memref<!tpu.dma_semaphore, #tpu.memory_space<semaphore_mem>>
      %dma_start3A = tpu.memref_slice %arg5[%mul3A_41] : memref<320000xf32, #tpu.memory_space<hbm>> -> memref<10000xf32, #tpu.memory_space<hbm>>
      %dma_start3A_42 = tpu.memref_slice %arg5[%mul3A_41] : memref<320000xf32, #tpu.memory_space<hbm>> -> memref<10000xf32, #tpu.memory_space<hbm>>
      tpu.enqueue_dma source(%arg11 : memref<10000xf32, #tpu.memory_space<vmem>>) target(%dma_start3A_42 : memref<10000xf32, #tpu.memory_space<hbm>>) target_semaphore(%run_scoped3A : memref<!tpu.dma_semaphore, #tpu.memory_space<semaphore_mem>>)
      %dma_wait3A = tpu.memref_slice %arg5[%mul3A_41] : memref<320000xf32, #tpu.memory_space<hbm>> -> memref<10000xf32, #tpu.memory_space<hbm>>
      %dma_wait3A_43 = tpu.memref_slice %arg5[%mul3A_41] : memref<320000xf32, #tpu.memory_space<hbm>> -> memref<10000xf32, #tpu.memory_space<hbm>>
      tpu.wait_dma2 semaphore(%run_scoped3A : memref<!tpu.dma_semaphore, #tpu.memory_space<semaphore_mem>>) src(%arg11 : memref<10000xf32, #tpu.memory_space<vmem>>) dst(%dma_wait3A_43 : memref<10000xf32, #tpu.memory_space<hbm>>)
      tpu.yield
    }) : () -> ()
    return
  }
}

module attributes {stable_mosaic.version = 14 : i64} {
  func.func @_dense_kernel(%arg0: i32, %arg1: memref<128x1024xf32, #tpu.memory_space<vmem>>, %arg2: memref<1024x128xf32, #tpu.memory_space<vmem>>, %arg3: memref<128x128xf32, #tpu.memory_space<vmem>>, %arg4: memref<1x128xf32, #tpu.memory_space<vmem>>, %arg5: memref<1x128xf32, #tpu.memory_space<vmem>>, %arg6: memref<1x128xf32, #tpu.memory_space<vmem>>, %arg7: memref<1024x128xf32, #tpu.memory_space<vmem>>) attributes {dimension_semantics = [#tpu.dimension_semantics<arbitrary>], iteration_bounds = array<i64: 10>, scalar_prefetch = 0 : i64, scratch_operands = 0 : i64, tpu.core_type = #tpu.core_type<tc>, window_params = [{transform_indices = @transform_0, window_bounds = array<i64: 128, 1024>}, {transform_indices = @transform_1, window_bounds = array<i64: 1024, 128>}, {pipeline_mode = #tpu.pipeline_mode<synchronous>, transform_indices = @transform_2, window_bounds = array<i64: 128, 128>}, {pipeline_mode = #tpu.pipeline_mode<synchronous>, transform_indices = @transform_3, window_bounds = array<i64: 1, 128>}, {pipeline_mode = #tpu.pipeline_mode<synchronous>, transform_indices = @transform_4, window_bounds = array<i64: 1, 128>}, {pipeline_mode = #tpu.pipeline_mode<synchronous>, transform_indices = @transform_5, window_bounds = array<i64: 1, 128>}, {transform_indices = @transform_6, window_bounds = array<i64: 1024, 128>}]} {
    %get3A = arith.constant 0 : index
    %get3A_0 = arith.constant 0 : index
    %get3A_1 = vector.load %arg1[%get3A, %get3A_0] : memref<128x1024xf32, #tpu.memory_space<vmem>>, vector<128x1024xf32>
    %get3A_2 = arith.constant 0 : index
    %get3A_3 = arith.constant 0 : index
    %get3A_4 = vector.load %arg3[%get3A_2, %get3A_3] : memref<128x128xf32, #tpu.memory_space<vmem>>, vector<128x128xf32>
    %dot_general3A = arith.constant dense<0.000000e+00> : vector<1024x128xf32>
    %dot_general3A_5 = tpu.matmul %get3A_1, %get3A_4, %dot_general3A {dimension_numbers = #tpu.dot_dimension_numbers<[0], [1], [1], [0], [0, 1, 1, 0], [], []>, transpose_lhs_hint = false} : vector<128x1024xf32>, vector<128x128xf32>, vector<1024x128xf32> -> vector<1024x128xf32>
    %get3A_6 = arith.constant 0 : index
    %get3A_7 = arith.constant 0 : index
    %get3A_8 = vector.load %arg4[%get3A_6, %get3A_7] : memref<1x128xf32, #tpu.memory_space<vmem>>, vector<1x128xf32>
    %add3A = vector.broadcast %get3A_8 : vector<1x128xf32> to vector<1024x128xf32>
    %add3A_9 = arith.addf %dot_general3A_5, %add3A : vector<1024x128xf32>
    %get3A_10 = arith.constant 0 : index
    %get3A_11 = arith.constant 0 : index
    %get3A_12 = vector.load %arg2[%get3A_10, %get3A_11] : memref<1024x128xf32, #tpu.memory_space<vmem>>, vector<1024x128xf32>
    %add3A_13 = arith.addf %add3A_9, %get3A_12 : vector<1024x128xf32>
    %reduce_sum3A = arith.constant dense<0.000000e+00> : vector<1024xf32>
    %reduce_sum3A_14 = vector.multi_reduction <add>, %add3A_13, %reduce_sum3A [1] : vector<1024x128xf32> to vector<1024xf32>
    %broadcast_in_dim3A = vector.shape_cast %reduce_sum3A_14 : vector<1024xf32> to vector<1024x1xf32>
    %div3A = arith.constant 1.280000e+02 : f32
    %div3A_15 = vector.broadcast %div3A : f32 to vector<1024x1xf32>
    %div3A_16 = arith.divf %broadcast_in_dim3A, %div3A_15 : vector<1024x1xf32>
    %sub3A = vector.broadcast %div3A_16 : vector<1024x1xf32> to vector<1024x128xf32>
    %sub3A_17 = arith.subf %add3A_13, %sub3A : vector<1024x128xf32>
    %mul3A = arith.mulf %sub3A_17, %sub3A_17 : vector<1024x128xf32>
    %reduce_sum3A_18 = arith.constant dense<0.000000e+00> : vector<1024xf32>
    %reduce_sum3A_19 = vector.multi_reduction <add>, %mul3A, %reduce_sum3A_18 [1] : vector<1024x128xf32> to vector<1024xf32>
    %broadcast_in_dim3A_20 = vector.shape_cast %reduce_sum3A_19 : vector<1024xf32> to vector<1024x1xf32>
    %div3A_21 = arith.constant 1.280000e+02 : f32
    %div3A_22 = vector.broadcast %div3A_21 : f32 to vector<1024x1xf32>
    %div3A_23 = arith.divf %broadcast_in_dim3A_20, %div3A_22 : vector<1024x1xf32>
    %add3A_24 = arith.constant 9.99999974E-6 : f32
    %add3A_25 = vector.broadcast %add3A_24 : f32 to vector<1024x1xf32>
    %add3A_26 = arith.addf %div3A_23, %add3A_25 : vector<1024x1xf32>
    %rsqrt3A = math.rsqrt %add3A_26 : vector<1024x1xf32>
    %mul3A_27 = vector.broadcast %rsqrt3A : vector<1024x1xf32> to vector<1024x128xf32>
    %mul3A_28 = arith.mulf %sub3A_17, %mul3A_27 : vector<1024x128xf32>
    %get3A_29 = arith.constant 0 : index
    %get3A_30 = arith.constant 0 : index
    %get3A_31 = vector.load %arg5[%get3A_29, %get3A_30] : memref<1x128xf32, #tpu.memory_space<vmem>>, vector<1x128xf32>
    %mul3A_32 = vector.broadcast %get3A_31 : vector<1x128xf32> to vector<1024x128xf32>
    %mul3A_33 = arith.mulf %mul3A_28, %mul3A_32 : vector<1024x128xf32>
    %get3A_34 = arith.constant 0 : index
    %get3A_35 = arith.constant 0 : index
    %get3A_36 = vector.load %arg6[%get3A_34, %get3A_35] : memref<1x128xf32, #tpu.memory_space<vmem>>, vector<1x128xf32>
    %add3A_37 = vector.broadcast %get3A_36 : vector<1x128xf32> to vector<1024x128xf32>
    %add3A_38 = arith.addf %mul3A_33, %add3A_37 : vector<1024x128xf32>
    %mul3A_39 = arith.constant 5.000000e-01 : f32
    %mul3A_40 = vector.broadcast %mul3A_39 : f32 to vector<1024x128xf32>
    %mul3A_41 = arith.mulf %mul3A_40, %add3A_38 : vector<1024x128xf32>
    %mul3A_42 = arith.constant 0.707106769 : f32
    %mul3A_43 = vector.broadcast %mul3A_42 : f32 to vector<1024x128xf32>
    %mul3A_44 = arith.mulf %add3A_38, %mul3A_43 : vector<1024x128xf32>
    %erf3A = math.erf %mul3A_44 : vector<1024x128xf32>
    %add3A_45 = arith.constant 1.000000e+00 : f32
    %add3A_46 = vector.broadcast %add3A_45 : f32 to vector<1024x128xf32>
    %add3A_47 = arith.addf %add3A_46, %erf3A : vector<1024x128xf32>
    %mul3A_48 = arith.mulf %mul3A_41, %add3A_47 : vector<1024x128xf32>
    %swap3A = arith.constant 0 : index
    %swap3A_49 = arith.constant 0 : index
    %swap3A_50 = vector.load %arg7[%swap3A, %swap3A_49] : memref<1024x128xf32, #tpu.memory_space<vmem>>, vector<1024x128xf32>
    tpu.vector_store %arg7[%swap3A, %swap3A_49], %mul3A_48 {strides = array<i32>} : memref<1024x128xf32, #tpu.memory_space<vmem>>, vector<1024x128xf32>,
    return
  }
  func.func @transform_0(%arg0: i32) -> (i32, i32) {
    %c0_i32 = arith.constant 0 : i32
    %c0_i32_0 = arith.constant 0 : i32
    return %c0_i32, %arg0 : i32, i32
  }
  func.func @transform_1(%arg0: i32) -> (i32, i32) {
    %c0_i32 = arith.constant 0 : i32
    %c0_i32_0 = arith.constant 0 : i32
    return %arg0, %c0_i32 : i32, i32
  }
  func.func @transform_2(%arg0: i32) -> (i32, i32) {
    %c0_i32 = arith.constant 0 : i32
    %c0_i32_0 = arith.constant 0 : i32
    %c0_i32_1 = arith.constant 0 : i32
    return %c0_i32, %c0_i32_0 : i32, i32
  }
  func.func @transform_3(%arg0: i32) -> (i32, i32) {
    %c0_i32 = arith.constant 0 : i32
    %c0_i32_0 = arith.constant 0 : i32
    %c0_i32_1 = arith.constant 0 : i32
    return %c0_i32, %c0_i32_0 : i32, i32
  }
  func.func @transform_4(%arg0: i32) -> (i32, i32) {
    %c0_i32 = arith.constant 0 : i32
    %c0_i32_0 = arith.constant 0 : i32
    %c0_i32_1 = arith.constant 0 : i32
    return %c0_i32, %c0_i32_0 : i32, i32
  }
  func.func @transform_5(%arg0: i32) -> (i32, i32) {
    %c0_i32 = arith.constant 0 : i32
    %c0_i32_0 = arith.constant 0 : i32
    %c0_i32_1 = arith.constant 0 : i32
    return %c0_i32, %c0_i32_0 : i32, i32
  }
  func.func @transform_6(%arg0: i32) -> (i32, i32) {
    %c0_i32 = arith.constant 0 : i32
    %c0_i32_0 = arith.constant 0 : i32
    return %arg0, %c0_i32 : i32, i32
  }
}

</mosaic_0001>

<sc_bundles>
// kernel: kernel.12.cloned.1.call-start
scs
__scs_entry_jumppad:
0x0: {  	(pc) =	sbr.rel $0x88, $3  }
0x1: {  	(tag) =	ssettag $0x0;
	lr =	simm.s32 $0x1  }
0x2: {  	[smem:$0x3F9A] =	sst lr;
	_ =	strace $0xD0000000  }
0x3: {  	_ = 	snop  }
0x4: {  	_ = 	snop  }
0x5: {  	_ = 	snop  }
0x6: {  	_ = 	snop  }
0x7: {  	_ = 	snop  }
__scs_overlays_trampoline_lowered:
0x8: {  	[smem:$0x3FA9] =	sst s0  }
0x9: {  	[smem:$0x3FAA] =	sst s1  }
0xa: {  	[smem:$0x3FAB] =	sst s2  }
0xb: {  	[smem:$0x3FAC] =	sst s3  }
0xc: {  	[smem:$0x3FAD] =	sst s4  }
0xd: {  	[smem:$0x3FAE] =	sst s5  }
0xe: {  	[smem:$0x3FAF] =	sst s6  }
0xf: {  	[smem:$0x3FB0] =	sst s7  }
0x10: {  	[smem:$0x3FB1] =	sst s8  }
0x11: {  	[smem:$0x3FB2] =	sst s9;
	s0 =	simm.s32 @!p0 $0x0  }
0x12: {  	s1 =	sld [smem:$0x3F98];
	s0 =	simm.s32 @p0 $0x1  }
0x13: {  	[smem:$0x3FB3] =	sst s0;
	s0 =	simm.s32 @!p1 $0x0  }
0x14: {  	s2 =	sld [smem:$0x3F97];
	s0 =	simm.s32 @p1 $0x1  }
0x15: {  	[smem:$0x3FB4] =	sst s0;
	s0 =	simm.s32 @!p2 $0x0  }
0x16: {  	s3 =	sld [smem:$0x3FDB];
	s0 =	simm.s32 @p2 $0x1  }
0x17: {  	s4 =	simm.s32 $0x1BF5;
	[smem:$0x3FB6] =	sst s0  }
0x18: {  	s0 =	sld [smem:$0x3F99];
	_ =	swait.ge [sflag:s4], $0x0  }
0x19: {  	s7 =	sld [smem:$0x3F9A]  }
0x1a: {  	s8 =	sadd.s32 $0xFFFFE003, lr  }
0x1b: {  	s9 =	sadd.s32 $0xFFFFFEF7, lr;
	s5 =	simm.s32 $0xFFFFFFFF;
	p2 =	slt.u32 s8, $0xFFFFF086  }
0x1c: {  	p1 =	slt.u32 s9, $0xF7A;
	s5 =	simm.s32 @!p2 $0x0  }
0x1d: {  	s5 =	simm.s32 @p1 $0x1;
	p0 =	seq.s32 s7, s2  }
0x1e: {  	s7 =	smul.u32 @!p0 $0xF7A, s2;
	p2 =	seq.s32 @!p0 s5, $0x0  }
0x1f: {  	s9 =	smul.u32 $0xF7A, s1;
	s8 =	simm.s32 @!p0 $0x1BF5;
	p2 =	por !p2, p0  }
0x20: {  	[sflag:s8] =	ssyncset.s32 @!p0 $0xFFFFF086;
	s6 =	sadd.s32 @!p0 s3, s7;
	s7 =	simm.s32 @!p0 $0x108  }
0x21: {  	s3 =	sadd.s32 s3, s9;
	s6 =	sadd.s32 @!p0 $0x88, s6;
	s7 =	simm.s32 @p2 $0x1082  }
0x22: {  	[simem:s7], [sflag:s8] =	dma.local @!p0 [hbm:s6], $0xF7A  }
0x23: {  	s9 =	sor.u32 $0xD0000000, s2;
	s6 =	simm.s32 $0x108;
	_ =	swait.ge @!p0 [sflag:s8], $0x0  }
0x24: {  	s3 =	sadd.s32 $0x88, s3;
	s6 =	simm.s32 @!p1 $0x1082;
	[sflag:s4] =	ssyncset.s32 $0xFFFFF086  }
0x25: {  	[simem:s6], [sflag:s4] =	dma.local [hbm:s3], $0xF7A  }
0x26: {  	[smem:$0x3F9A] =	sst s1;
	(tag) =	ssettag s2;
	_ =	strace s9  }
0x27: {  	s1 =	sld [smem:$0x3FAA]  }
0x28: {  	s2 =	sld [smem:$0x3FAB]  }
0x29: {  	s4 =	sld [smem:$0x3FAD]  }
0x2a: {  	p0 =	seq.s32 s5, $0x0;
	s5 =	sld [smem:$0x3FAE]  }
0x2b: {  	s6 =	sld [smem:$0x3FAF]  }
0x2c: {  	s7 =	sld [smem:$0x3FB0]  }
0x2d: {  	s3 =	simm.s32 $0x108;
	s8 =	sld [smem:$0x3FB1]  }
0x2e: {  	s3 =	simm.s32 @!p0 $0x1082;
	s9 =	sld [smem:$0x3FB2]  }
0x2f: {  	lr =	sadd.s32 s0, s3;
	s0 =	sld [smem:$0x3FA9]  }
0x30: {  	s3 =	sld [smem:$0x3FAC]  }
0x31: {  	[smem:$0x3FB5] =	sst s10  }
0x32: {  	s10 =	sld [smem:$0x3FB3];
	_ =	sdelay $0x3  }
0x33: {  	p0 =	seq.s32 s10, $0x1;
	s10 =	sld [smem:$0x3FB5];
	_ =	sdelay $0x3  }
0x34: {  	[smem:$0x3FB5] =	sst s10  }
0x35: {  	s10 =	sld [smem:$0x3FB4];
	_ =	sdelay $0x3  }
0x36: {  	p1 =	seq.s32 s10, $0x1;
	s10 =	sld [smem:$0x3FB5];
	_ =	sdelay $0x3  }
0x37: {  	[smem:$0x3FB5] =	sst s10  }
0x38: {  	s10 =	sld [smem:$0x3FB6]  }
0x39: {  	_ = 	snop;
	(pc) =	sbr.ind lr, $3  }
0x3a: {  	_ = 	snop  }
0x3b: {  	_ = 	snop  }
0x3c: {  	p2 =	seq.s32 s10, $0x1;
	s10 =	sld [smem:$0x3FB5]  }
0x3d: {  	_ =	shalt  }
0x3e: {  	_ =	shalt  }
0x3f: {  	_ =	shalt  }
0x40: {  	_ =	shalt  }
0x41: {  	_ =	shalt  }
0x42: {  	_ =	shalt  }
0x43: {  	_ =	shalt  }
0x44: {  	_ =	shalt  }
0x45: {  	_ =	shalt  }
0x46: {  	_ =	shalt  }
0x47: {  	_ =	shalt  }
0x48: {  	_ =	shalt  }
0x49: {  	_ =	shalt  }
0x4a: {  	_ =	shalt  }
0x4b: {  	_ =	shalt  }
0x4c: {  	_ =	shalt  }
0x4d: {  	_ =	shalt  }
0x4e: {  	_ =	shalt  }
0x4f: {  	_ =	shalt  }
0x50: {  	_ =	shalt  }
0x51: {  	_ =	shalt  }
0x52: {  	_ =	shalt  }
0x53: {  	_ =	shalt  }
0x54: {  	_ =	shalt  }
0x55: {  	_ =	shalt  }
0x56: {  	_ =	shalt  }
0x57: {  	_ =	shalt  }
0x58: {  	_ =	shalt  }
0x59: {  	_ =	shalt  }
0x5a: {  	_ =	shalt  }
0x5b: {  	_ =	shalt  }
0x5c: {  	_ =	shalt  }
0x5d: {  	_ =	shalt  }
0x5e: {  	_ =	shalt  }
0x5f: {  	_ =	shalt  }
0x60: {  	_ =	shalt  }
0x61: {  	_ =	shalt  }
0x62: {  	_ =	shalt  }
0x63: {  	_ =	shalt  }
0x64: {  	_ =	shalt  }
0x65: {  	_ =	shalt  }
0x66: {  	_ =	shalt  }
0x67: {  	_ =	shalt  }
0x68: {  	_ =	shalt  }
0x69: {  	_ =	shalt  }
0x6a: {  	_ =	shalt  }
0x6b: {  	_ =	shalt  }
0x6c: {  	_ =	shalt  }
0x6d: {  	_ =	shalt  }
0x6e: {  	_ =	shalt  }
0x6f: {  	_ =	shalt  }
0x70: {  	_ =	shalt  }
0x71: {  	_ =	shalt  }
0x72: {  	_ =	shalt  }
0x73: {  	_ =	shalt  }
0x74: {  	_ =	shalt  }
0x75: {  	_ =	shalt  }
0x76: {  	_ =	shalt  }
0x77: {  	_ =	shalt  }
0x78: {  	_ =	shalt  }
0x79: {  	_ =	shalt  }
0x7a: {  	_ =	shalt  }
0x7b: {  	_ =	shalt  }
0x7c: {  	_ =	shalt  }
0x7d: {  	_ =	shalt  }
0x7e: {  	_ =	shalt  }
0x7f: {  	_ =	shalt  }
0x80: {  	_ =	shalt  }
0x81: {  	_ =	shalt  }
0x82: {  	_ =	shalt  }
0x83: {  	_ =	shalt  }
0x84: {  	_ =	shalt  }
0x85: {  	_ =	shalt  }
0x86: {  	_ =	shalt  }
0x87: {  	_ =	shalt  }
.Lfunc_end0:
.L_simem_size_0:
called_computation.2_lowered:
.L_overlay_start_0:
0x88: {  	s2 =	sld [smem:$0x3FD9]  }
0x89: {  	s3 =	sld [smem:$0x3FFE];
	_ =	sdelay $0x1  }
0x8a: {  	s1 =	srdreg.scid  }
0x8b: {  	s0 =	sand.u32 $0x1, s1  }
0x8c: {  	s17 =	sshll.u32 s0, $0xA;
	s2 =	sadd.s32 s3, s2  }
0x8d: {  	s2 =	sadd.s32 s2, s17  }
0x8e: {  	[smem:$0x3FC1] =	sst s2  }
0x8f: {  	_ = 	snop  }
0x90: {  	s2 =	sld [smem:$0x3FD0];
	(tm) =	ssettm $0x1  }
0x91: {  	s18 =	sld [smem:$0x3FFB];
	_ =	sdelay $0x3  }
0x92: {  	_ =	strace s18  }
0x93: {  	s3 =	sld [smem:$0x3FFC];
	_ =	sdelay $0x3  }
0x94: {  	_ =	strace s3  }
0x95: {  	s3 =	sld [smem:$0x3FFD];
	_ =	sdelay $0x3  }
0x96: {  	_ =	strace s3  }
0x97: {  	_ =	strace $0x8FFFFFFF  }
0x98: {  	s19 =	sld [smem:$0x3FDB];
	_ =	sdelay $0x1  }
0x99: {  	s4 =	simm.s32 $_scs_section_size  }
0x9a: {  	s5 =	simm.s32 $_size__tile_overlayer_lowered;
	s6 =	simm.s32 $_tile_overlayer_lowered  }
0x9b: {  	s22 =	simm.s32 $0x1BFF;
	s21 =	sshll.u32 s6, $0x1;
	s3 =	sadd.s32 s4, s19  }
0x9c: {  	s7 =	simm.s32 $0x0;
	s20 =	sshll.u32 s5, $0x1;
	s5 =	sadd.s32 s21, s3  }
0x9d: {  	[timem:s7], [sflag:s22] =	dma.local [hbm:s5], s20  }
0x9e: {  	_ =	swait.ge [sflag:s22], s20  }
0x9f: {  	s4 =	ssub.s32 $0x0, s20;
	[sflag:s22] =	ssyncset.done $0x0  }
0xa0: {  	[sflag:s22] =	ssyncadd.s32 s4;
	_ =	sdelay $0x1  }
0xa1: {  	s23 =	simm.s32 $0x1B8B  }
0xa2: {  	_ =	swait.ge [sflag:s23], $0x1  }
0xa3: {  	[sflag:s23] =	ssyncset.done $0x0  }
0xa4: {  	s25 =	simm.s32 $0x1B8E;
	s24 =	sld [smem:$0x3FFE];
	[sflag:s23] =	ssyncadd.s32 $0xFFFFFFFF  }
0xa5: {  	s26 =	simm.s32 $execute0_lowered;
	[smem:$0x3FD2] =	sst s25  }
0xa6: {  	s5 =	sshll.u32 s26, $0x1;
	_ =	strace $0x8000004C;
	[dreg:$0x1] =	wrdreg $0xFFFFFFFF  }
0xa7: {  	s28 =	simm.s32 $_size_execute0_lowered;
	s3 =	sadd.s32 s3, s5;
	[dreg:$0x0] =	wrdreg $0x0  }
0xa8: {  	s5 =	sshll.u32 s28, $0x1;
	[dreg:$0x2] =	wrdreg s3  }
0xa9: {  	[dreg:$0x3] =	wrdreg s5  }
0xaa: {  	[dreg:$0x4] =	wrdreg $0xC0  }
0xab: {  	_ =	task [dreg:s7], $0x5FFFF  }
0xac: {  	[dreg:$0x1] =	wrdreg $0xFFFFFFFF  }
0xad: {  	[dreg:$0x0] =	wrdreg $0x60  }
0xae: {  	[dreg:$0x2] =	wrdreg s2  }
0xaf: {  	[dreg:$0x3] =	wrdreg s24  }
0xb0: {  	[dreg:$0x4] =	wrdreg $0x9  }
0xb1: {  	_ =	task.clear_ibuf [dreg:s7], $0x5FFFF;
	_ =	strace $0x9000004C  }
0xb2: {  	s29 =	simm.s32 $0x9;
	_ =	strace $0x8000004E  }
0xb3: {  	_ =	swait.ge [sflag:s29], $0x1  }
0xb4: {  	[sflag:s29] =	ssyncadd.s32 $0xFFFFFFFF  }
0xb5: {  	_ =	strace $0x9000004E  }
0xb6: {  	_ =	sfence  }
0xb7: {  	s30 =	sld [smem:$0x0];
	_ =	sdelay $0x2  }
0xb8: {  	s31 =	sshll.u32 s1, $0xD;
	s1 =	sshrl.u32 s1, $0x2  }
0xb9: {  	s3 =	sand.u32 $0x4000, s31;
	s1 =	sadd.s32 s1, s30  }
0xba: {  	s0 =	sor.u32 s3, s0;
	s1 =	sshll.u32 s1, $0x11  }
0xbb: {  	s0 =	sor.u32 s1, s0  }
0xbc: {  	s0 =	sadd.s32 $0x8F2B, s0  }
0xbd: {  	[sflag:s0] =	ssyncadd.remote.s32 $0x1  }
0xbe: {  	_ =	sfence.sel $0xFFFF  }
0xbf: {  	[dreg:$0x0] =	wrdreg $0xFFFFFFFF;
	(pc) =	sbr.abs _section_cstart, $3  }
0xc0: {  	[dreg:$0x1] =	wrdreg $0xFFFFFFFF  }
0xc1: {  	_ =	task.clear_ibuf [dreg:s7], $0x2FFFF;
	_ =	strace $0x9FFFFFFF  }
0xc2: {  	(tm) =	ssettm $0x7FFFFFFF  }
0xc3: {  	_ =	shalt  }
tec
execute0_lowered:
.L_overlay_start_1:
0x0: {  	(tag) =	ssettag $0x1  }
0x1: {  	s6 =	rddreg [dreg:$0x0]  }
0x2: {  	s7 =	rddreg [dreg:$0x1]  }
0x3: {  	s1 =	srdreg.scid;
	s0 =	rddreg [dreg:$0x2]  }
0x4: {  	s2 =	simm.s32 $0x0;
	s11 =	simm.s32 $0x13780;
	s5 =	sand.u32 $0x1, s1  }
0x5: {  	s12 =	simm.s32 $0x5000;
	s1 =	stileid.u32;
	s3 =	sshll.u32 s5, $0x4  }
0x6: {  	s13 =	simm.s32 $0x0;
	[smem:$0x7FF] =	sst s2;
	s8 =	sor.u32 s1, s3  }
0x7: {  	s4 =	sadd.s32 $0xB800, s7;
	_ =	strace $0x8000004D;
	s9 =	smul.u32 $0x1400, s8  }
0x8: {  	s10 =	ssub.s32 $0x2, s5;
	s5 =	sadd.s32 $0x16000, s7;
	s8 =	smul.u32 $0xA00, s8  }
0x9: {  	s3 =	sadd.s32 $0x1A00, s7;
	s31 =	sshrl.u32 s10, $0x1;
	s7 =	sadd.s32 s9, s7  }
0xa: {  	s9 =	ssub.s32 s10, s31;
	s6 =	sadd.s32 s6, s8;
	s10 =	simm.s32 $0x11800  }
0xb: {  	s7 =	sadd.s32 $0x16600, s7;
	s8 =	smax.u32 s9, $0x1;
	s9 =	simm.s32 $0x1  }
.LBB2_1:
0xc: {  	[tilespmem:s2], [sflag:$0x1] =	stream.linear.gather [hbm4b:s6+s2], $0x5000, $0x38;
	[tilespmem:$0x15700] =	vst v63  }
0xd: {  	_ =	swait.ge [sflag:s9], $0x5000  }
0xe: {  	[sflag:s9] =	ssyncset.done $0x0  }
0xf: {  	s14 =	simm.s32 $0xF000;
	[sflag:s9] =	ssyncadd.s32 $0xFFFFB000  }
0x10: {  	[tilespmem:s14], [sflag:$0x1] =	stream.linear.gather [hbm4b:s5+s2], $0x2800, $0x38;
	[tilespmem:$0x15700] =	vst v63  }
0x11: {  	_ =	swait.ge [sflag:s9], $0x2800  }
0x12: {  	[sflag:s9] =	ssyncset.done $0x0  }
0x13: {  	[sflag:s9] =	ssyncadd.s32 $0xFFFFD800  }
0x14: {  	v1 =	vld [tilespmem:s2+$0x0]  }
0x15: {  	v0 =	vld [tilespmem:s14+$0x0]  }
0x16: {  	s15 =	sand.u32 $0x3FF0, s2  }
0x17: {  	v3 =	vld [tilespmem:s15+$0x2800];
	_ =	sdelay $0x1  }
0x18: {  	s16 =	simm.s32 $0x10;
	v2 =	vshll.u32 v1, $0x10;
	v1 =	vand.u32 $0xFFFF0000, v1  }
0x19: {  	s17 =	simm.s32 $0x0;
	s18 =	simm.s32 $0x5000;
	s19 =	simm.s32 $0x5000;
	v2 =	vmul.f32 v2, v0;
	v1 =	vmul.f32 v1, v0  }
.LBB2_2:
0x1a: {  	s14 =	sadd.s32 $0x10, s14  }
0x1b: {  	v4 =	vshll.u32 v3, $0x10;
	v3 =	vand.u32 $0xFFFF0000, v3;
	s17 =	sadd.s32 $0x10, s17;
	s18 =	sadd.s32 $0x10, s18;
	s20 =	smov.u32 s16  }
0x1c: {  	p0 =	sne.s32 s16, $0x27F0;
	s16 =	sadd.s32 $0x10, s16;
	[tilespmem:s19+$0x0] =	vst v2;
	v2 =	vmul.f32 v4, v0;
	v0 =	vmul.f32 v3, v0;
	s19 =	smov.u32 s18  }
0x1d: {  	[tilespmem:s15+$0x7800] =	vst v1  }
0x1e: {  	s20 =	sand.u32 $0x3FF0, s20;
	[tilespmem:s15+$0xC800] =	vst v0  }
0x1f: {  	[tilespmem:s15+$0xA000] =	vst v2;
	s15 =	smov.u32 s20  }
0x20: {  	v1 =	vld [tilespmem:s17+$0x0]  }
0x21: {  	v0 =	vld [tilespmem:s14+$0x0]  }
.Ltmp0:
0x22: {  	v3 =	vld [tilespmem:s15+$0x2800];
	(pc) =	sbr.rel @p0 .LBB2_2-.Ltmp0, $3  }
0x23: {  	_ =	sdelay $0x1  }
0x24: {  	v2 =	vshll.u32 v1, $0x10;
	v1 =	vand.u32 $0xFFFF0000, v1  }
0x25: {  	v2 =	vmul.f32 v2, v0;
	v1 =	vmul.f32 v1, v0  }
0x26: {  	v4 =	vand.u32 $0xFFFF0000, v3  }
0x27: {  	v61 =	vshll.u32 v3, $0x10;
	[tilespmem:s19+$0x0] =	vst v2;
	v62 =	vmul.f32 v4, v0  }
0x28: {  	v63 =	vmul.f32 v61, v0;
	[tilespmem:s15+$0x7800] =	vst v1  }
0x29: {  	[tilespmem:s15+$0xC800] =	vst v62  }
0x2a: {  	s14 =	simm.s32 $0x0;
	[tilespmem:s15+$0xA000] =	vst v63  }
.LBB2_4:
0x2b: {  	s15 =	smul.u32 $0x3E8, s14;
	_ =	sdelay $0x1  }
0x2c: {  	s16 =	sadd.s32 s3, s15  }
0x2d: {  	[tilespmem:s10], [sflag:$0x1] =	stream.linear.gather [hbm4b:s16+s2], $0x1F40, $0x38;
	[tilespmem:$0x15700] =	vst v63  }
0x2e: {  	_ =	swait.ge [sflag:s9], $0x1F40  }
0x2f: {  	[sflag:s9] =	ssyncset.done $0x0  }
0x30: {  	s15 =	sadd.s32 s4, s15;
	[sflag:s9] =	ssyncadd.s32 $0xFFFFE0C0  }
0x31: {  	[tilespmem:s11], [sflag:$0x1] =	stream.linear.gather [hbm4b:s15+s2], $0x1F40, $0x38;
	[tilespmem:$0x15700] =	vst v63  }
0x32: {  	_ =	swait.ge [sflag:s9], $0x1F40  }
0x33: {  	s17 =	simm.s32 $0x11840;
	[sflag:s9] =	ssyncset.done $0x0  }
0x34: {  	s18 =	simm.s32 $0x137C0;
	s16 =	simm.s32 $0xFFFFFFF8;
	[sflag:s9] =	ssyncadd.s32 $0xFFFFE0C0  }
.LBB2_5:
0x35: {  	v0 =	vld [tilespmem:s17+$0xFFFFFFC0]  }
0x36: {  	v3 =	vld [tilespmem:s17+$0xFFFFFFD0]  }
0x37: {  	v13 =	vld [tilespmem:s17+$0xFFFFFFE0]  }
0x38: {  	v63 =	vld [tilespmem:s17+$0xFFFFFFF0]  }
0x39: {  	v31 =	vld [tilespmem:s17+$0x0]  }
0x3a: {  	v44 =	vld [tilespmem:s17+$0x10];
	_ =	sdelay $0x1  }
0x3b: {  	v1 =	vand.u32 $0x3FFF, v0  }
0x3c: {  	v4 =	vand.u32 $0x3FFF, v3;
	v0 =	vshrl.u32 v0, $0xE;
	v3 =	vshrl.u32 v3, $0xE  }
0x3d: {  	v5 =	vld [tilespmem:s18+$0xFFFFFFC0];
	v60 =	vand.u32 $0x3FFF, v13;
	v23 =	vshrl.u32 v13, $0xE;
	v25 =	vand.u32 $0x3FFF, v63  }
0x3e: {  	v14 =	vld [tilespmem:s18+$0xFFFFFFD0];
	v37 =	vshrl.u32 v63, $0xE;
	v39 =	vand.u32 $0x3FFF, v31;
	v50 =	vand.u32 $0x3FFF, v44  }
0x3f: {  	v24 =	vld [tilespmem:s18+$0xFFFFFFE0];
	v2 =	vadd.s32 $0x2800, v1;
	v6 =	vadd.s32 $0x2800, v0;
	v7 =	vadd.s32 $0x5000, v0  }
0x40: {  	s15 =	simm.s32 $0x0;
	v35 =	vld [tilespmem:s18+$0xFFFFFFF0];
	v8 =	vand.u32 $0x7F, v0;
	v12 =	vadd.s32 $0x7800, v0;
	v61 =	vadd.s32 $0x5000, v3  }
0x41: {  	v53 =	vadd.s32 $0x2800, v3;
	v54 =	vand.u32 $0x7F, v3;
	v15 =	vand.u32 $0x7FF80, v61;
	v1 =	vld.idx.msk [tilespmem:v1+s15+$0x0], $0xffff  }
0x42: {  	v62 =	vadd.s32 $0x7800, v3;
	v17 =	vor.u32 v54, v15;
	v15 =	vadd.s32 $0x2800, v50;
	v11 =	vld.idx.msk [tilespmem:v4+s15+$0x0], $0xffff  }
0x43: {  	v16 =	vadd.s32 $0x2800, v60;
	v26 =	vadd.s32 $0x2800, v23;
	v4 =	vadd.s32 $0x2800, v4;
	v33 =	vld.idx.msk [tilespmem:v25+s15+$0x0], $0xffff  }
0x44: {  	v27 =	vadd.s32 $0x5000, v23;
	v28 =	vand.u32 $0x7F, v23;
	v32 =	vadd.s32 $0x7800, v23;
	v2 =	vld.idx.msk [tilespmem:v2+s15+$0x0], $0xffff  }
0x45: {  	v51 =	vld [tilespmem:s17+$0x20];
	v43 =	vadd.s32 $0x2800, v39;
	v6 =	vand.u32 $0x7FF80, v6;
	v7 =	vand.u32 $0x7FF80, v7  }
0x46: {  	v55 =	vand.u32 $0x7FF80, v53;
	v6 =	vor.u32 v8, v6;
	v7 =	vor.u32 v8, v7;
	v22 =	vld.idx.msk [tilespmem:v60+s15+$0x0], $0xffff  }
0x47: {  	v57 =	vor.u32 v54, v55;
	v15 =	vld.idx.msk [tilespmem:v15+s15+$0x0], $0xffff;
	v9 =	vshll.u32 v1, $0x10;
	v1 =	vand.u32 $0xFFFF0000, v1  }
0x48: {  	v4 =	vld.idx.msk [tilespmem:v4+s15+$0x0], $0xffff;
	v58 =	vshll.u32 v11, $0x10;
	v59 =	vand.u32 $0xFFFF0000, v11;
	v42 =	vshll.u32 v33, $0x10  }
0x49: {  	v48 =	vand.u32 $0xFFFF0000, v33;
	v11 =	vld.idx.msk [tilespmem:v50+s15+$0x0], $0xffff;
	v10 =	vshll.u32 v2, $0x10;
	v9 =	vmul.f32 v9, v5  }
0x4a: {  	v33 =	vld [tilespmem:s18+$0x20];
	v1 =	vmul.f32 v1, v5;
	v2 =	vand.u32 $0xFFFF0000, v2;
	v52 =	vmul.f32 v10, v5  }
0x4b: {  	v45 =	vadd.s32 $0x2800, v37;
	v56 =	vmul.f32 v2, v5;
	v5 =	vmul.f32 v58, v14;
	[tilespmem:v0+s12+$0x0] =	vst.idx.add.f32.msk $0xffff, v9  }
0x4c: {  	v46 =	vadd.s32 $0x5000, v37;
	v47 =	vand.u32 $0x7F, v37;
	v12 =	vand.u32 $0x7FF80, v12;
	[tilespmem:v6+s12+$0x0] =	vst.idx.add.f32.msk $0xffff, v1  }
0x4d: {  	v18 =	vand.u32 $0x7FF80, v62;
	v53 =	vshrl.u32 v31, $0xE;
	v8 =	vor.u32 v8, v12;
	[tilespmem:v3+s12+$0x0] =	vst.idx.add.f32.msk $0xffff, v5  }
0x4e: {  	v19 =	vor.u32 v54, v18;
	v30 =	vshll.u32 v22, $0x10;
	v12 =	vmul.f32 v59, v14;
	v6 =	vld.idx.msk [tilespmem:v43+s15+$0x0], $0xffff  }
0x4f: {  	v10 =	vand.u32 $0x7FF80, v32;
	v58 =	vand.u32 $0x3FFF, v51;
	v9 =	vand.u32 $0x7FF80, v26;
	[tilespmem:v7+s12+$0x0] =	vst.idx.add.f32.msk $0xffff, v52  }
0x50: {  	v0 =	vadd.s32 $0x7800, v37;
	v18 =	vadd.s32 $0x2800, v58;
	v26 =	vand.u32 $0xFFFF0000, v15;
	[tilespmem:v57+s12+$0x0] =	vst.idx.add.f32.msk $0xffff, v12  }
0x51: {  	v29 =	vor.u32 v28, v9;
	v3 =	vor.u32 v28, v10;
	v20 =	vshll.u32 v4, $0x10;
	v52 =	vld [tilespmem:s18+$0x0]  }
0x52: {  	v5 =	vmul.f32 v42, v35;
	v0 =	vand.u32 $0x7FF80, v0;
	[tilespmem:v8+s12+$0x0] =	vst.idx.add.f32.msk $0xffff, v56;
	v1 =	vmul.f32 v20, v14  }
0x53: {  	v9 =	vadd.s32 $0x5000, v53;
	v21 =	vand.u32 $0xFFFF0000, v4;
	v7 =	vadd.s32 $0x2800, v25;
	v8 =	vld.idx.msk [tilespmem:v16+s15+$0x0], $0xffff  }
0x54: {  	v4 =	vand.u32 $0xFFFF0000, v22;
	v0 =	vor.u32 v47, v0;
	v57 =	vadd.s32 $0x7800, v53;
	[tilespmem:v17+s12+$0x0] =	vst.idx.add.f32.msk $0xffff, v1  }
0x55: {  	v60 =	vand.u32 $0x7FF80, v9;
	v62 =	vshll.u32 v11, $0x10;
	v2 =	vmul.f32 v21, v14;
	v17 =	vld [tilespmem:s18+$0x10]  }
0x56: {  	v63 =	vand.u32 $0xFFFF0000, v11;
	v25 =	vshll.u32 v15, $0x10;
	v4 =	vmul.f32 v4, v24;
	v18 =	vld.idx.msk [tilespmem:v18+s15+$0x0], $0xffff  }
0x57: {  	v56 =	vadd.s32 $0x2800, v53;
	v16 =	vand.u32 $0x7F, v53;
	v1 =	vand.u32 $0x7FF80, v27;
	[tilespmem:v19+s12+$0x0] =	vst.idx.add.f32.msk $0xffff, v2  }
0x58: {  	v61 =	vand.u32 $0x7FF80, v57;
	v1 =	vor.u32 v28, v1;
	v2 =	vmul.f32 v30, v24;
	v41 =	vld.idx.msk [tilespmem:v7+s15+$0x0], $0xffff  }
0x59: {  	v55 =	vshll.u32 v6, $0x10;
	v6 =	vand.u32 $0xFFFF0000, v6;
	[tilespmem:v37+s12+$0x0] =	vst.idx.add.f32.msk $0xffff, v5;
	v5 =	vmul.f32 v48, v35  }
0x5a: {  	v28 =	vld [tilespmem:s17+$0x30];
	v59 =	vmul.f32 v55, v52;
	v6 =	vmul.f32 v6, v52;
	v34 =	vshll.u32 v8, $0x10  }
0x5b: {  	v7 =	vshrl.u32 v44, $0xE;
	[tilespmem:v23+s12+$0x0] =	vst.idx.add.f32.msk $0xffff, v2;
	v38 =	vand.u32 $0xFFFF0000, v8;
	v36 =	vmul.f32 v34, v24  }
0x5c: {  	v2 =	vand.u32 $0x7FF80, v45;
	v8 =	vand.u32 $0x7FF80, v56;
	[tilespmem:v29+s12+$0x0] =	vst.idx.add.f32.msk $0xffff, v4;
	v40 =	vmul.f32 v38, v24  }
0x5d: {  	v27 =	vadd.s32 $0x2800, v7;
	v19 =	vadd.s32 $0x5000, v7;
	v20 =	vadd.s32 $0x7800, v7;
	[tilespmem:v1+s12+$0x0] =	vst.idx.add.f32.msk $0xffff, v36  }
0x5e: {  	v2 =	vor.u32 v47, v2;
	v8 =	vor.u32 v16, v8;
	[tilespmem:v3+s12+$0x0] =	vst.idx.add.f32.msk $0xffff, v40;
	v3 =	vand.u32 $0x7FF80, v46  }
0x5f: {  	v29 =	vand.u32 $0x7F, v7;
	v1 =	vld.idx.msk [tilespmem:v39+s15+$0x0], $0xffff;
	v39 =	vand.u32 $0x3FFF, v28;
	v3 =	vor.u32 v47, v3  }
0x60: {  	v50 =	vld [tilespmem:s18+$0x30];
	v31 =	vand.u32 $0x7FF80, v27;
	v9 =	vmul.f32 v62, v17;
	v45 =	vadd.s32 $0x2800, v39  }
0x61: {  	v24 =	vld.idx.msk [tilespmem:v58+s15+$0x0], $0xffff;
	v32 =	vand.u32 $0x7FF80, v19;
	v30 =	vmul.f32 v63, v17;
	v49 =	vshll.u32 v41, $0x10  }
0x62: {  	v38 =	vshrl.u32 v51, $0xE;
	v13 =	vmul.f32 v25, v17;
	[tilespmem:v7+s12+$0x0] =	vst.idx.add.f32.msk $0xffff, v9;
	v10 =	vmul.f32 v49, v35  }
0x63: {  	v34 =	vmul.f32 v26, v17;
	v42 =	vshll.u32 v18, $0x10;
	v4 =	vand.u32 $0xFFFF0000, v41;
	[tilespmem:v2+s12+$0x0] =	vst.idx.add.f32.msk $0xffff, v5  }
0x64: {  	v4 =	vmul.f32 v4, v35;
	v54 =	vshll.u32 v1, $0x10;
	[tilespmem:v3+s12+$0x0] =	vst.idx.add.f32.msk $0xffff, v10;
	v3 =	vor.u32 v16, v60  }
0x65: {  	v1 =	vand.u32 $0xFFFF0000, v1;
	v5 =	vmul.f32 v54, v52;
	v51 =	vld.idx.msk [tilespmem:v45+s15+$0x0], $0xffff;
	v10 =	vor.u32 v29, v31  }
0x66: {  	v43 =	vand.u32 $0xFFFF0000, v18;
	v44 =	vadd.s32 $0x2800, v38;
	v1 =	vmul.f32 v1, v52;
	[tilespmem:v0+s12+$0x0] =	vst.idx.add.f32.msk $0xffff, v4  }
0x67: {  	v36 =	vand.u32 $0x7FF80, v20;
	v11 =	vmul.f32 v42, v33;
	v4 =	vor.u32 v16, v61;
	[tilespmem:v53+s12+$0x0] =	vst.idx.add.f32.msk $0xffff, v5  }
0x68: {  	v48 =	vand.u32 $0x7F, v38;
	v37 =	vor.u32 v29, v36;
	v35 =	vor.u32 v29, v32;
	[tilespmem:v8+s12+$0x0] =	vst.idx.add.f32.msk $0xffff, v1  }
0x69: {  	v46 =	vadd.s32 $0x5000, v38;
	v9 =	vand.u32 $0x7FF80, v44;
	v7 =	vmul.f32 v43, v33;
	[tilespmem:v3+s12+$0x0] =	vst.idx.add.f32.msk $0xffff, v59  }
0x6a: {  	v47 =	vadd.s32 $0x7800, v38;
	v9 =	vor.u32 v48, v9;
	v49 =	vshrl.u32 v28, $0xE;
	[tilespmem:v10+s12+$0x0] =	vst.idx.add.f32.msk $0xffff, v30  }
0x6b: {  	v40 =	vshll.u32 v24, $0x10;
	v41 =	vand.u32 $0xFFFF0000, v24;
	v5 =	vand.u32 $0x7FF80, v46;
	v3 =	vld.idx.msk [tilespmem:v39+s15+$0x0], $0xffff  }
0x6c: {  	v52 =	vadd.s32 $0x2800, v49;
	v5 =	vor.u32 v48, v5;
	v10 =	vand.u32 $0x7FF80, v47;
	[tilespmem:v4+s12+$0x0] =	vst.idx.add.f32.msk $0xffff, v6  }
0x6d: {  	v54 =	vand.u32 $0x7F, v49;
	v4 =	vmul.f32 v40, v33;
	[tilespmem:v35+s12+$0x0] =	vst.idx.add.f32.msk $0xffff, v13;
	v8 =	vor.u32 v48, v10  }
0x6e: {  	v12 =	vand.u32 $0x7FF80, v52;
	v53 =	vadd.s32 $0x5000, v49;
	v6 =	vmul.f32 v41, v33;
	[tilespmem:v37+s12+$0x0] =	vst.idx.add.f32.msk $0xffff, v34  }
0x6f: {  	v55 =	vadd.s32 $0x7800, v49;
	v56 =	vor.u32 v54, v12;
	v0 =	vand.u32 $0x7FF80, v53;
	[tilespmem:v38+s12+$0x0] =	vst.idx.add.f32.msk $0xffff, v4  }
0x70: {  	s16 =	sadd.s32 $0x8, s16;
	v2 =	vand.u32 $0x7FF80, v55;
	v0 =	vor.u32 v54, v0;
	[tilespmem:v9+s12+$0x0] =	vst.idx.add.f32.msk $0xffff, v6;
	v57 =	vshll.u32 v3, $0x10  }
0x71: {  	p0 =	slt.u32 s16, $0x1E8;
	v1 =	vor.u32 v54, v2;
	[tilespmem:v5+s12+$0x0] =	vst.idx.add.f32.msk $0xffff, v11;
	v58 =	vand.u32 $0xFFFF0000, v3;
	v59 =	vmul.f32 v57, v50  }
.Ltmp1:
0x72: {  	v60 =	vshll.u32 v51, $0x10;
	[tilespmem:v8+s12+$0x0] =	vst.idx.add.f32.msk $0xffff, v7;
	v2 =	vmul.f32 v58, v50;
	(pc) =	sbr.rel @p0 .LBB2_5-.Ltmp1, $4  }
0x73: {  	v61 =	vand.u32 $0xFFFF0000, v51;
	v62 =	vmul.f32 v60, v50;
	[tilespmem:v49+s12+$0x0] =	vst.idx.add.f32.msk $0xffff, v59  }
0x74: {  	v63 =	vmul.f32 v61, v50;
	[tilespmem:v56+s12+$0x0] =	vst.idx.add.f32.msk $0xffff, v2  }
0x75: {  	[tilespmem:v0+s12+$0x0] =	vst.idx.add.f32.msk $0xffff, v62  }
0x76: {  	s18 =	sadd.s32 $0x80, s18;
	s17 =	sadd.s32 $0x80, s17;
	[tilespmem:v1+s12+$0x0] =	vst.idx.add.f32.msk $0xffff, v63  }
.LBB2_6:
0x77: {  	s16 =	sshra.s32 s15, $0x2  }
0x78: {  	v0 =	vld [tilespmem:s16+$0x13700];
	_ =	sdelay $0x4  }
0x79: {  	v1 =	vand.u32 $0x3FFF, v0;
	_ =	sdelay $0x1  }
0x7a: {  	v2 =	vadd.s32 $0x2800, v1;
	_ =	sdelay $0x2  }
0x7b: {  	v1 =	vld.idx.msk [tilespmem:v1+s2+$0x0], $0xffff  }
0x7c: {  	v3 =	vld [tilespmem:s16+$0x15680];
	v0 =	vshrl.u32 v0, $0xE  }
0x7d: {  	v4 =	vadd.s32 $0x2800, v0;
	v2 =	vld.idx.msk [tilespmem:v2+s2+$0x0], $0xffff  }
0x7e: {  	v5 =	vadd.s32 $0x5000, v0;
	v6 =	vand.u32 $0x7F, v0;
	v4 =	vand.u32 $0x7FF80, v4  }
0x7f: {  	v7 =	vadd.s32 $0x7800, v0;
	v5 =	vand.u32 $0x7FF80, v5;
	v4 =	vor.u32 v6, v4  }
0x80: {  	v7 =	vand.u32 $0x7FF80, v7;
	v5 =	vor.u32 v6, v5;
	v8 =	vshll.u32 v1, $0x10  }
0x81: {  	p0 =	sne.s32 s15, $0xC0;
	v6 =	vor.u32 v6, v7;
	v1 =	vand.u32 $0xFFFF0000, v1;
	v8 =	vmul.f32 v8, v3  }
.Ltmp2:
0x82: {  	v61 =	vshll.u32 v2, $0x10;
	v1 =	vmul.f32 v1, v3;
	(pc) =	sbr.rel @p0 .LBB2_6-.Ltmp2, $4  }
0x83: {  	v2 =	vand.u32 $0xFFFF0000, v2;
	v62 =	vmul.f32 v61, v3;
	[tilespmem:v0+s12+$0x0] =	vst.idx.add.f32.msk $0xffff, v8  }
0x84: {  	v63 =	vmul.f32 v2, v3;
	[tilespmem:v4+s12+$0x0] =	vst.idx.add.f32.msk $0xffff, v1  }
0x85: {  	[tilespmem:v5+s12+$0x0] =	vst.idx.add.f32.msk $0xffff, v62  }
0x86: {  	s15 =	sadd.s32 $0x40, s15;
	[tilespmem:v6+s12+$0x0] =	vst.idx.add.f32.msk $0xffff, v63  }
0x87: {  	s14 =	sadd.s32 $0x1, s14  }
0x88: {  	p0 =	sne.s32 s14, $0x28  }
.Ltmp3:
0x89: {  	_ = 	snop;
	(pc) =	sbr.rel @p0 .LBB2_4-.Ltmp3, $1  }
0x8a: {  	_ =	sdelay $0x3  }
0x8b: {  	s13 =	sadd.s32 $0x1, s13  }
0x8c: {  	p0 =	sne.s32 s13, s8  }
.Ltmp4:
0x8d: {  	_ = 	snop;
	(pc) =	sbr.rel @p0 .LBB2_1-.Ltmp4, $4  }
0x8e: {  	[hbm4b:s7+s2] =	stream.linear.scatter [tilespmem:s12], [sflag:$0x1], $0xA000, $0x38;
	[tilespmem:$0x15700] =	vst v63  }
0x8f: {  	_ =	swait.ge [sflag:s9], $0xA000  }
0x90: {  	[sflag:s9] =	ssyncset.done $0x0  }
0x91: {  	[sflag:s9] =	ssyncadd.s32 $0xFFFF6000  }
0x92: {  	_ =	sfence.sel $0x180000  }
0x93: {  	[bflag:$0x0] =	sbarrier.arrive $0xFFFF  }
0x94: {  	p0 =	sne.s32 s1, $0x0;
	_ =	strace $0x9000004D  }
0x95: {  	s0 =	sadd.s32 @!p0 $0x100000, s0;
	[bflag:$0x2] =	sbarrier.arrive $0xFFFF  }
0x96: {  	[sflag:s0] =	ssyncadd.tile.s32 @!p0 $0x1;
	_ =	shalt  }
.Lfunc_end2:
_tile_overlayer_lowered:
.L_overlay_start_2:
0x97: {  	(tag) =	ssettag $0x2  }
0x98: {  	s0 =	rddreg [dreg:$0x0];
	s2 =	stileid.u32  }
0x99: {  	s1 =	rddreg [dreg:$0x1];
	p0 =	sne.s32 s2, $0x0  }
0x9a: {  	s3 =	rddreg [dreg:$0x2];
	[bflag:$0x3] =	sbarrier.arrive $0xFFFF;
	s2 =	simm.s32 @!p0 $0x1C01  }
0x9b: {  	[timem:s3], [sflag:s2] =	dma.local @!p0 [hbm:s0], s1  }
0x9c: {  	s0 =	simm.s32 @!p0 $0x1  }
0x9d: {  	_ =	swait.ge @!p0 [sflag:s0], s1  }
0x9e: {  	s1 =	ssub.s32 @!p0 $0x0, s1;
	[sflag:s0] =	ssyncset.done @!p0 $0x0  }
0x9f: {  	[sflag:s0] =	ssyncadd.s32 @!p0 s1  }
0xa0: {  	[bflag:$0x3] =	sbarrier.arrive $0xFFFF  }
0xa1: {  	_ =	shalt  }

// kernel: kernel.6.cloned.1.call-start
scs
__scs_entry_jumppad:
0x0: {  	(pc) =	sbr.rel $0x88, $3  }
0x1: {  	(tag) =	ssettag $0x0;
	lr =	simm.s32 $0x1  }
0x2: {  	[smem:$0x3F9A] =	sst lr;
	_ =	strace $0xD0000000  }
0x3: {  	_ = 	snop  }
0x4: {  	_ = 	snop  }
0x5: {  	_ = 	snop  }
0x6: {  	_ = 	snop  }
0x7: {  	_ = 	snop  }
__scs_overlays_trampoline_lowered:
0x8: {  	[smem:$0x3FA9] =	sst s0  }
0x9: {  	[smem:$0x3FAA] =	sst s1  }
0xa: {  	[smem:$0x3FAB] =	sst s2  }
0xb: {  	[smem:$0x3FAC] =	sst s3  }
0xc: {  	[smem:$0x3FAD] =	sst s4  }
0xd: {  	[smem:$0x3FAE] =	sst s5  }
0xe: {  	[smem:$0x3FAF] =	sst s6  }
0xf: {  	[smem:$0x3FB0] =	sst s7  }
0x10: {  	[smem:$0x3FB1] =	sst s8  }
0x11: {  	[smem:$0x3FB2] =	sst s9;
	s0 =	simm.s32 @!p0 $0x0  }
0x12: {  	s1 =	sld [smem:$0x3F98];
	s0 =	simm.s32 @p0 $0x1  }
0x13: {  	[smem:$0x3FB3] =	sst s0;
	s0 =	simm.s32 @!p1 $0x0  }
0x14: {  	s2 =	sld [smem:$0x3F97];
	s0 =	simm.s32 @p1 $0x1  }
0x15: {  	[smem:$0x3FB4] =	sst s0;
	s0 =	simm.s32 @!p2 $0x0  }
0x16: {  	s3 =	sld [smem:$0x3FDB];
	s0 =	simm.s32 @p2 $0x1  }
0x17: {  	s4 =	simm.s32 $0x1BF5;
	[smem:$0x3FB6] =	sst s0  }
0x18: {  	s0 =	sld [smem:$0x3F99];
	_ =	swait.ge [sflag:s4], $0x0  }
0x19: {  	s7 =	sld [smem:$0x3F9A]  }
0x1a: {  	s8 =	sadd.s32 $0xFFFFE003, lr  }
0x1b: {  	s9 =	sadd.s32 $0xFFFFFEF7, lr;
	s5 =	simm.s32 $0xFFFFFFFF;
	p2 =	slt.u32 s8, $0xFFFFF086  }
0x1c: {  	p1 =	slt.u32 s9, $0xF7A;
	s5 =	simm.s32 @!p2 $0x0  }
0x1d: {  	s5 =	simm.s32 @p1 $0x1;
	p0 =	seq.s32 s7, s2  }
0x1e: {  	s7 =	smul.u32 @!p0 $0xF7A, s2;
	p2 =	seq.s32 @!p0 s5, $0x0  }
0x1f: {  	s9 =	smul.u32 $0xF7A, s1;
	s8 =	simm.s32 @!p0 $0x1BF5;
	p2 =	por !p2, p0  }
0x20: {  	[sflag:s8] =	ssyncset.s32 @!p0 $0xFFFFF086;
	s6 =	sadd.s32 @!p0 s3, s7;
	s7 =	simm.s32 @!p0 $0x108  }
0x21: {  	s3 =	sadd.s32 s3, s9;
	s6 =	sadd.s32 @!p0 $0x88, s6;
	s7 =	simm.s32 @p2 $0x1082  }
0x22: {  	[simem:s7], [sflag:s8] =	dma.local @!p0 [hbm:s6], $0xF7A  }
0x23: {  	s9 =	sor.u32 $0xD0000000, s2;
	s6 =	simm.s32 $0x108;
	_ =	swait.ge @!p0 [sflag:s8], $0x0  }
0x24: {  	s3 =	sadd.s32 $0x88, s3;
	s6 =	simm.s32 @!p1 $0x1082;
	[sflag:s4] =	ssyncset.s32 $0xFFFFF086  }
0x25: {  	[simem:s6], [sflag:s4] =	dma.local [hbm:s3], $0xF7A  }
0x26: {  	[smem:$0x3F9A] =	sst s1;
	(tag) =	ssettag s2;
	_ =	strace s9  }
0x27: {  	s1 =	sld [smem:$0x3FAA]  }
0x28: {  	s2 =	sld [smem:$0x3FAB]  }
0x29: {  	s4 =	sld [smem:$0x3FAD]  }
0x2a: {  	p0 =	seq.s32 s5, $0x0;
	s5 =	sld [smem:$0x3FAE]  }
0x2b: {  	s6 =	sld [smem:$0x3FAF]  }
0x2c: {  	s7 =	sld [smem:$0x3FB0]  }
0x2d: {  	s3 =	simm.s32 $0x108;
	s8 =	sld [smem:$0x3FB1]  }
0x2e: {  	s3 =	simm.s32 @!p0 $0x1082;
	s9 =	sld [smem:$0x3FB2]  }
0x2f: {  	lr =	sadd.s32 s0, s3;
	s0 =	sld [smem:$0x3FA9]  }
0x30: {  	s3 =	sld [smem:$0x3FAC]  }
0x31: {  	[smem:$0x3FB5] =	sst s10  }
0x32: {  	s10 =	sld [smem:$0x3FB3];
	_ =	sdelay $0x3  }
0x33: {  	p0 =	seq.s32 s10, $0x1;
	s10 =	sld [smem:$0x3FB5];
	_ =	sdelay $0x3  }
0x34: {  	[smem:$0x3FB5] =	sst s10  }
0x35: {  	s10 =	sld [smem:$0x3FB4];
	_ =	sdelay $0x3  }
0x36: {  	p1 =	seq.s32 s10, $0x1;
	s10 =	sld [smem:$0x3FB5];
	_ =	sdelay $0x3  }
0x37: {  	[smem:$0x3FB5] =	sst s10  }
0x38: {  	s10 =	sld [smem:$0x3FB6]  }
0x39: {  	_ = 	snop;
	(pc) =	sbr.ind lr, $3  }
0x3a: {  	_ = 	snop  }
0x3b: {  	_ = 	snop  }
0x3c: {  	p2 =	seq.s32 s10, $0x1;
	s10 =	sld [smem:$0x3FB5]  }
0x3d: {  	_ =	shalt  }
0x3e: {  	_ =	shalt  }
0x3f: {  	_ =	shalt  }
0x40: {  	_ =	shalt  }
0x41: {  	_ =	shalt  }
0x42: {  	_ =	shalt  }
0x43: {  	_ =	shalt  }
0x44: {  	_ =	shalt  }
0x45: {  	_ =	shalt  }
0x46: {  	_ =	shalt  }
0x47: {  	_ =	shalt  }
0x48: {  	_ =	shalt  }
0x49: {  	_ =	shalt  }
0x4a: {  	_ =	shalt  }
0x4b: {  	_ =	shalt  }
0x4c: {  	_ =	shalt  }
0x4d: {  	_ =	shalt  }
0x4e: {  	_ =	shalt  }
0x4f: {  	_ =	shalt  }
0x50: {  	_ =	shalt  }
0x51: {  	_ =	shalt  }
0x52: {  	_ =	shalt  }
0x53: {  	_ =	shalt  }
0x54: {  	_ =	shalt  }
0x55: {  	_ =	shalt  }
0x56: {  	_ =	shalt  }
0x57: {  	_ =	shalt  }
0x58: {  	_ =	shalt  }
0x59: {  	_ =	shalt  }
0x5a: {  	_ =	shalt  }
0x5b: {  	_ =	shalt  }
0x5c: {  	_ =	shalt  }
0x5d: {  	_ =	shalt  }
0x5e: {  	_ =	shalt  }
0x5f: {  	_ =	shalt  }
0x60: {  	_ =	shalt  }
0x61: {  	_ =	shalt  }
0x62: {  	_ =	shalt  }
0x63: {  	_ =	shalt  }
0x64: {  	_ =	shalt  }
0x65: {  	_ =	shalt  }
0x66: {  	_ =	shalt  }
0x67: {  	_ =	shalt  }
0x68: {  	_ =	shalt  }
0x69: {  	_ =	shalt  }
0x6a: {  	_ =	shalt  }
0x6b: {  	_ =	shalt  }
0x6c: {  	_ =	shalt  }
0x6d: {  	_ =	shalt  }
0x6e: {  	_ =	shalt  }
0x6f: {  	_ =	shalt  }
0x70: {  	_ =	shalt  }
0x71: {  	_ =	shalt  }
0x72: {  	_ =	shalt  }
0x73: {  	_ =	shalt  }
0x74: {  	_ =	shalt  }
0x75: {  	_ =	shalt  }
0x76: {  	_ =	shalt  }
0x77: {  	_ =	shalt  }
0x78: {  	_ =	shalt  }
0x79: {  	_ =	shalt  }
0x7a: {  	_ =	shalt  }
0x7b: {  	_ =	shalt  }
0x7c: {  	_ =	shalt  }
0x7d: {  	_ =	shalt  }
0x7e: {  	_ =	shalt  }
0x7f: {  	_ =	shalt  }
0x80: {  	_ =	shalt  }
0x81: {  	_ =	shalt  }
0x82: {  	_ =	shalt  }
0x83: {  	_ =	shalt  }
0x84: {  	_ =	shalt  }
0x85: {  	_ =	shalt  }
0x86: {  	_ =	shalt  }
0x87: {  	_ =	shalt  }
.Lfunc_end0:
.L_simem_size_0:
called_computation_lowered:
.L_overlay_start_0:
0x88: {  	s2 =	sld [smem:$0x3FD9]  }
0x89: {  	s3 =	sld [smem:$0x3FFE];
	_ =	sdelay $0x1  }
0x8a: {  	s1 =	srdreg.scid  }
0x8b: {  	s0 =	sand.u32 $0x1, s1  }
0x8c: {  	s17 =	sshll.u32 s0, $0xA;
	s2 =	sadd.s32 s3, s2  }
0x8d: {  	s2 =	sadd.s32 s2, s17  }
0x8e: {  	[smem:$0x3FC1] =	sst s2  }
0x8f: {  	_ = 	snop  }
0x90: {  	s2 =	sld [smem:$0x3FD0];
	(tm) =	ssettm $0x1  }
0x91: {  	s18 =	sld [smem:$0x3FFB];
	_ =	sdelay $0x3  }
0x92: {  	_ =	strace s18  }
0x93: {  	s3 =	sld [smem:$0x3FFC];
	_ =	sdelay $0x3  }
0x94: {  	_ =	strace s3  }
0x95: {  	s3 =	sld [smem:$0x3FFD];
	_ =	sdelay $0x3  }
0x96: {  	_ =	strace s3  }
0x97: {  	_ =	strace $0x8FFFFFFF  }
0x98: {  	s19 =	sld [smem:$0x3FDB];
	_ =	sdelay $0x1  }
0x99: {  	s4 =	simm.s32 $_scs_section_size  }
0x9a: {  	s5 =	simm.s32 $_size__tile_overlayer_lowered;
	s6 =	simm.s32 $_tile_overlayer_lowered  }
0x9b: {  	s22 =	simm.s32 $0x1BFF;
	s21 =	sshll.u32 s6, $0x1;
	s3 =	sadd.s32 s4, s19  }
0x9c: {  	s7 =	simm.s32 $0x0;
	s20 =	sshll.u32 s5, $0x1;
	s5 =	sadd.s32 s21, s3  }
0x9d: {  	[timem:s7], [sflag:s22] =	dma.local [hbm:s5], s20  }
0x9e: {  	_ =	swait.ge [sflag:s22], s20  }
0x9f: {  	s4 =	ssub.s32 $0x0, s20;
	[sflag:s22] =	ssyncset.done $0x0  }
0xa0: {  	[sflag:s22] =	ssyncadd.s32 s4;
	_ =	sdelay $0x1  }
0xa1: {  	s23 =	simm.s32 $0x1B8B  }
0xa2: {  	_ =	swait.ge [sflag:s23], $0x1  }
0xa3: {  	[sflag:s23] =	ssyncset.done $0x0  }
0xa4: {  	s25 =	simm.s32 $0x1B8E;
	s24 =	sld [smem:$0x3FFE];
	[sflag:s23] =	ssyncadd.s32 $0xFFFFFFFF  }
0xa5: {  	s26 =	simm.s32 $execute0_lowered;
	[smem:$0x3FD2] =	sst s25  }
0xa6: {  	s5 =	sshll.u32 s26, $0x1;
	_ =	strace $0x80000046;
	[dreg:$0x1] =	wrdreg $0xFFFFFFFF  }
0xa7: {  	s28 =	simm.s32 $_size_execute0_lowered;
	s3 =	sadd.s32 s3, s5;
	[dreg:$0x0] =	wrdreg $0x0  }
0xa8: {  	s5 =	sshll.u32 s28, $0x1;
	[dreg:$0x2] =	wrdreg s3  }
0xa9: {  	[dreg:$0x3] =	wrdreg s5  }
0xaa: {  	[dreg:$0x4] =	wrdreg $0xC0  }
0xab: {  	_ =	task [dreg:s7], $0x5FFFF  }
0xac: {  	[dreg:$0x1] =	wrdreg $0xFFFFFFFF  }
0xad: {  	[dreg:$0x0] =	wrdreg $0x60  }
0xae: {  	[dreg:$0x2] =	wrdreg s2  }
0xaf: {  	[dreg:$0x3] =	wrdreg s24  }
0xb0: {  	[dreg:$0x4] =	wrdreg $0x77000  }
0xb1: {  	[dreg:$0x5] =	wrdreg $0x9  }
0xb2: {  	_ =	task.clear_ibuf [dreg:s7], $0x6FFFF;
	_ =	strace $0x90000046  }
0xb3: {  	s29 =	simm.s32 $0x9;
	_ =	strace $0x80000048  }
0xb4: {  	_ =	swait.ge [sflag:s29], $0x1  }
0xb5: {  	[sflag:s29] =	ssyncadd.s32 $0xFFFFFFFF  }
0xb6: {  	_ =	strace $0x90000048  }
0xb7: {  	_ =	sfence  }
0xb8: {  	s30 =	sld [smem:$0x0];
	_ =	sdelay $0x2  }
0xb9: {  	s31 =	sshll.u32 s1, $0xD;
	s1 =	sshrl.u32 s1, $0x2  }
0xba: {  	s3 =	sand.u32 $0x4000, s31;
	s1 =	sadd.s32 s1, s30  }
0xbb: {  	s0 =	sor.u32 s3, s0;
	s1 =	sshll.u32 s1, $0x11  }
0xbc: {  	s0 =	sor.u32 s1, s0  }
0xbd: {  	s0 =	sadd.s32 $0x8F2B, s0  }
0xbe: {  	[sflag:s0] =	ssyncadd.remote.s32 $0x1  }
0xbf: {  	_ =	sfence.sel $0xFFFF  }
0xc0: {  	[dreg:$0x0] =	wrdreg $0xFFFFFFFF;
	(pc) =	sbr.abs _section_cstart, $3  }
0xc1: {  	[dreg:$0x1] =	wrdreg $0xFFFFFFFF  }
0xc2: {  	_ =	task.clear_ibuf [dreg:s7], $0x2FFFF;
	_ =	strace $0x9FFFFFFF  }
0xc3: {  	(tm) =	ssettm $0x7FFFFFFF  }
tec
execute0_lowered:
.L_overlay_start_1:
0x0: {  	(tag) =	ssettag $0x1  }
0x1: {  	s4 =	rddreg [dreg:$0x0]  }
0x2: {  	s5 =	rddreg [dreg:$0x1]  }
0x3: {  	s0 =	srdreg.scid;
	s6 =	rddreg [dreg:$0x2];
	s2 =	simm.s32 $0x0  }
0x4: {  	s14 =	simm.s32 $0x1400;
	s15 =	simm.s32 $0x14000;
	s16 =	simm.s32 $0x9F00  }
0x5: {  	s17 =	simm.s32 $0x100;
	s18 =	simm.s32 $0xC700;
	s19 =	simm.s32 $0x0  }
0x6: {  	s3 =	sand.u32 $0x1, s0;
	s0 =	stileid.u32;
	[smem:$0x7FF] =	sst s2  }
0x7: {  	s1 =	sshll.u32 s3, $0x4;
	s8 =	sshll.u32 s0, $0x7;
	s9 =	smul.u32 $0x500, s0  }
0x8: {  	s10 =	sshll.u32 s3, $0x7;
	s28 =	sshrl.u32 s0, $0x3;
	s3 =	ssub.s32 $0x2, s3  }
0x9: {  	s12 =	smul.u32 $0x5000, s0;
	s1 =	sor.u32 s0, s1;
	s29 =	sshrl.u32 s3, $0x1  }
0xa: {  	s1 =	sshrl.u32 s1, $0x3;
	s9 =	sor.u32 s10, s9;
	s10 =	smul.u32 $0x50000, s28  }
0xb: {  	s8 =	sand.u32 $0x380, s8;
	s13 =	ssub.s32 s3, s29;
	s7 =	smul.u32 $0x13C00, s1  }
0xc: {  	s31 =	sshrl.u32 s12, $0x2;
	s12 =	simm.s32 $0x2780;
	s1 =	rddreg [dreg:$0x3]  }
0xd: {  	_ =	strace $0x80000047;
	s9 =	sshrl.u32 s9, $0x3;
	s7 =	sor.u32 s8, s7  }
0xe: {  	s9 =	sadd.s32 s9, s5;
	s30 =	sshrl.u32 s10, $0x2;
	s7 =	sshrl.u32 s7, $0x3  }
0xf: {  	s10 =	simm.s32 $0x400;
	s11 =	sadd.s32 s7, s5;
	s3 =	sadd.s32 s4, s7  }
0x10: {  	s5 =	sadd.s32 s30, s6;
	s6 =	sadd.s32 s31, s6;
	s7 =	sadd.s32 $0x15600, s9  }
0x11: {  	s9 =	simm.s32 $0x80;
	s4 =	sadd.s32 $0xB800, s11;
	s5 =	sadd.s32 s8, s5  }
0x12: {  	v0 =	vimm.f32 $0.0e+00;
	s8 =	smax.u32 s13, $0x1;
	s11 =	simm.s32 $0x1;
	s13 =	simm.s32 $0x4F00  }
.LBB2_1:
0x13: {  	s20 =	simm.s32 $0x40;
	s21 =	simm.s32 $0x0  }
.LBB2_2:
0x14: {  	p0 =	sne.s32 s20, $0x9FC0;
	[tilespmem:s21+$0x4F00] =	vst v0;
	s21 =	smov.u32 s20;
	s20 =	sadd.s32 $0x40, s20  }
.Ltmp0:
0x15: {  	(pc) =	sbr.rel @p0 .LBB2_2-.Ltmp0, $2  }
0x16: {  	_ =	sdelay $0x2  }
0x17: {  	s21 =	sshra.s32 s21, $0x2  }
0x18: {  	[tilespmem:s21+$0x4F00] =	vst v0  }
0x19: {  	[tilespmem:s2], [sflag:$0x1] =	stream.strided.gather [hbm4b:s3+s9], $0x2780, s10, s9, $0x38;
	[tilespmem:$0xC980] =	vst v63  }
0x1a: {  	_ =	swait.ge [sflag:s11], $0x2780  }
0x1b: {  	[sflag:s11] =	ssyncset.done $0x0  }
0x1c: {  	[sflag:s11] =	ssyncadd.s32 $0xFFFFD880  }
0x1d: {  	[tilespmem:s12], [sflag:$0x1] =	stream.strided.gather [hbm4b:s4+s9], $0x2780, s10, s9, $0x38;
	[tilespmem:$0xC980] =	vst v63  }
0x1e: {  	_ =	swait.ge [sflag:s11], $0x2780  }
0x1f: {  	s20 =	simm.s32 $0xFFFFFFFC;
	[sflag:s11] =	ssyncset.done $0x0  }
0x20: {  	s21 =	simm.s32 $0x27A0;
	s22 =	simm.s32 $0x20;
	[sflag:s11] =	ssyncadd.s32 $0xFFFFD880  }
.LBB2_4:
0x21: {  	v1 =	vld [tilespmem:s22+$0xFFFFFFE0];
	_ =	sdelay $0x2  }
0x22: {  	v2 =	vld [tilespmem:s21+$0xFFFFFFE0];
	_ =	sdelay $0x4  }
0x23: {  	[tilespmem:v1+s13+$0x0] =	vst.idx.add.f32.msk $0xffff, v2  }
0x24: {  	v1 =	vld [tilespmem:s22+$0xFFFFFFF0];
	_ =	sdelay $0x2  }
0x25: {  	v2 =	vld [tilespmem:s21+$0xFFFFFFF0];
	_ =	sdelay $0x4  }
0x26: {  	[tilespmem:v1+s13+$0x0] =	vst.idx.add.f32.msk $0xffff, v2  }
0x27: {  	v1 =	vld [tilespmem:s22+$0x0];
	_ =	sdelay $0x2  }
0x28: {  	v2 =	vld [tilespmem:s21+$0x0];
	_ =	sdelay $0x4  }
0x29: {  	[tilespmem:v1+s13+$0x0] =	vst.idx.add.f32.msk $0xffff, v2  }
0x2a: {  	v1 =	vld [tilespmem:s22+$0x10];
	_ =	sdelay $0x1  }
0x2b: {  	s20 =	sadd.s32 $0x4, s20  }
0x2c: {  	p0 =	slt.u32 s20, $0x26C;
	v2 =	vld [tilespmem:s21+$0x10]  }
.Ltmp1:
0x2d: {  	_ = 	snop;
	(pc) =	sbr.rel @p0 .LBB2_4-.Ltmp1, $2  }
0x2e: {  	_ =	sdelay $0x2  }
0x2f: {  	s21 =	sadd.s32 $0x40, s21;
	s22 =	sadd.s32 $0x40, s22;
	[tilespmem:v1+s13+$0x0] =	vst.idx.add.f32.msk $0xffff, v2  }
0x30: {  	v1 =	vld [tilespmem:$0x2700];
	_ =	sdelay $0x2  }
0x31: {  	v2 =	vld [tilespmem:$0x4E80];
	_ =	sdelay $0x4  }
0x32: {  	[tilespmem:v1+s13+$0x0] =	vst.idx.add.f32.msk $0xffff, v2  }
0x33: {  	[spmem:s5] =	stream.strided.scatter [tilespmem:s13], [sflag:$0x1], $0x2800, s10, s9, $0x38;
	[tilespmem:$0xC980] =	vst v63  }
0x34: {  	_ =	swait.ge [sflag:s11], $0x2800  }
0x35: {  	[sflag:s11] =	ssyncset.done $0x0  }
0x36: {  	[sflag:s11] =	ssyncadd.s32 $0xFFFFD800  }
0x37: {  	[bflag:$0x0] =	sbarrier.arrive $0xFFFF  }
0x38: {  	[tilespmem:s16], [sflag:$0x1] =	stream.strided.gather [spmem:s6], $0x2800, s15, s14, $0x38;
	[tilespmem:$0xC980] =	vst v63  }
0x39: {  	s20 =	simm.s32 $0x0;
	_ =	swait.ge [sflag:s11], $0x2800  }
0x3a: {  	s21 =	sand.u32 $0x70, s20;
	s20 =	sand.u32 $0x1C00, s20;
	[sflag:s11] =	ssyncset.done $0x0  }
0x3b: {  	s20 =	sor.u32 s21, s20;
	[sflag:s11] =	ssyncadd.s32 $0xFFFFD800  }
0x3c: {  	v1 =	vld [tilespmem:s20+$0x9F80]  }
0x3d: {  	v2 =	vld [tilespmem:s20+$0x9F00];
	_ =	sdelay $0x1  }
0x3e: {  	v3 =	vld [tilespmem:s20+$0xA000];
	_ =	sdelay $0x1  }
0x3f: {  	v4 =	vld [tilespmem:s20+$0xA080]  }
0x40: {  	v1 =	vadd.f32 v1, v2  }
0x41: {  	v2 =	vld [tilespmem:s20+$0xA100]  }
0x42: {  	v1 =	vadd.f32 v3, v1  }
0x43: {  	v3 =	vld [tilespmem:s20+$0xA180]  }
0x44: {  	v1 =	vadd.f32 v4, v1  }
0x45: {  	v60 =	vld [tilespmem:s20+$0xA200]  }
0x46: {  	v1 =	vadd.f32 v2, v1  }
0x47: {  	v2 =	vld [tilespmem:s20+$0xA280]  }
0x48: {  	v1 =	vadd.f32 v3, v1  }
0x49: {  	v3 =	vld [tilespmem:s20+$0xB300]  }
0x4a: {  	v1 =	vadd.f32 v60, v1  }
0x4b: {  	v61 =	vld [tilespmem:s20+$0xB380]  }
0x4c: {  	v1 =	vadd.f32 v2, v1  }
0x4d: {  	v2 =	vld [tilespmem:s20+$0xB400]  }
0x4e: {  	v1 =	vadd.f32 v3, v1  }
0x4f: {  	v3 =	vld [tilespmem:s20+$0xB480]  }
0x50: {  	v1 =	vadd.f32 v61, v1  }
0x51: {  	v62 =	vld [tilespmem:s20+$0xB500]  }
0x52: {  	v1 =	vadd.f32 v2, v1  }
0x53: {  	v2 =	vld [tilespmem:s20+$0xB580]  }
0x54: {  	v1 =	vadd.f32 v3, v1  }
0x55: {  	v3 =	vld [tilespmem:s20+$0xB600]  }
0x56: {  	v1 =	vadd.f32 v62, v1  }
0x57: {  	v63 =	vld [tilespmem:s20+$0xB680]  }
0x58: {  	v1 =	vadd.f32 v2, v1;
	_ =	sdelay $0x1  }
0x59: {  	v1 =	vadd.f32 v3, v1;
	_ =	sdelay $0x1  }
0x5a: {  	s31 =	simm.s32 $0x10;
	s22 =	simm.s32 $0x80;
	v1 =	vadd.f32 v63, v1  }
0x5b: {  	s23 =	sand.u32 $0x1C00, s22;
	s21 =	sand.u32 $0x70, s31;
	s20 =	simm.s32 $0xC700  }
0x5c: {  	s21 =	sor.u32 s21, s23;
	s23 =	simm.s32 $0x20;
	[tilespmem:s20+$0x0] =	vst v1  }
.LBB2_6:
0x5d: {  	p0 =	sne.s32 s23, $0x270;
	v1 =	vld [tilespmem:s21+$0x9F80]  }
0x5e: {  	v2 =	vld [tilespmem:s21+$0x9F00];
	_ =	sdelay $0x1  }
0x5f: {  	v3 =	vld [tilespmem:s21+$0xA000];
	_ =	sdelay $0x1  }
0x60: {  	v4 =	vld [tilespmem:s21+$0xA080]  }
0x61: {  	v1 =	vadd.f32 v1, v2  }
0x62: {  	v2 =	vld [tilespmem:s21+$0xA100]  }
0x63: {  	v1 =	vadd.f32 v3, v1  }
0x64: {  	v3 =	vld [tilespmem:s21+$0xA180]  }
0x65: {  	v1 =	vadd.f32 v4, v1  }
0x66: {  	v4 =	vld [tilespmem:s21+$0xA200]  }
0x67: {  	v1 =	vadd.f32 v2, v1  }
0x68: {  	v2 =	vld [tilespmem:s21+$0xA280]  }
0x69: {  	v1 =	vadd.f32 v3, v1  }
0x6a: {  	v3 =	vld [tilespmem:s21+$0xB300]  }
0x6b: {  	v1 =	vadd.f32 v4, v1  }
0x6c: {  	v4 =	vld [tilespmem:s21+$0xB380]  }
0x6d: {  	v1 =	vadd.f32 v2, v1  }
0x6e: {  	v2 =	vld [tilespmem:s21+$0xB400]  }
0x6f: {  	v1 =	vadd.f32 v3, v1  }
0x70: {  	v3 =	vld [tilespmem:s21+$0xB480]  }
0x71: {  	v1 =	vadd.f32 v4, v1  }
0x72: {  	v4 =	vld [tilespmem:s21+$0xB500]  }
0x73: {  	v1 =	vadd.f32 v2, v1  }
0x74: {  	v2 =	vld [tilespmem:s21+$0xB580]  }
0x75: {  	v1 =	vadd.f32 v3, v1  }
0x76: {  	v3 =	vld [tilespmem:s21+$0xB600]  }
0x77: {  	v1 =	vadd.f32 v4, v1  }
0x78: {  	v4 =	vld [tilespmem:s21+$0xB680]  }
0x79: {  	v1 =	vadd.f32 v2, v1;
	_ =	sdelay $0x1  }
.Ltmp2:
0x7a: {  	v1 =	vadd.f32 v3, v1;
	(pc) =	sbr.rel @p0 .LBB2_6-.Ltmp2, $4  }
0x7b: {  	_ = 	snop  }
0x7c: {  	s22 =	sadd.s32 $0x80, s22;
	v1 =	vadd.f32 v4, v1  }
0x7d: {  	s20 =	sadd.s32 $0x10, s20;
	s24 =	sand.u32 $0x1C00, s22;
	s21 =	sand.u32 $0x70, s23  }
0x7e: {  	s23 =	sadd.s32 $0x10, s23;
	s21 =	sor.u32 s21, s24;
	[tilespmem:s20+$0x0] =	vst v1  }
0x7f: {  	v1 =	vld [tilespmem:s21+$0x9F80]  }
0x80: {  	v2 =	vld [tilespmem:s21+$0x9F00];
	_ =	sdelay $0x1  }
0x81: {  	v3 =	vld [tilespmem:s21+$0xA000];
	_ =	sdelay $0x1  }
0x82: {  	v4 =	vld [tilespmem:s21+$0xA080]  }
0x83: {  	v1 =	vadd.f32 v1, v2  }
0x84: {  	v2 =	vld [tilespmem:s21+$0xA100]  }
0x85: {  	v1 =	vadd.f32 v3, v1  }
0x86: {  	v3 =	vld [tilespmem:s21+$0xA180]  }
0x87: {  	v1 =	vadd.f32 v4, v1  }
0x88: {  	v60 =	vld [tilespmem:s21+$0xA200]  }
0x89: {  	v1 =	vadd.f32 v2, v1  }
0x8a: {  	v2 =	vld [tilespmem:s21+$0xA280]  }
0x8b: {  	v1 =	vadd.f32 v3, v1  }
0x8c: {  	v3 =	vld [tilespmem:s21+$0xB300]  }
0x8d: {  	v1 =	vadd.f32 v60, v1  }
0x8e: {  	v61 =	vld [tilespmem:s21+$0xB380]  }
0x8f: {  	v1 =	vadd.f32 v2, v1  }
0x90: {  	v2 =	vld [tilespmem:s21+$0xB400]  }
0x91: {  	v1 =	vadd.f32 v3, v1  }
0x92: {  	v3 =	vld [tilespmem:s21+$0xB480]  }
0x93: {  	v1 =	vadd.f32 v61, v1  }
0x94: {  	v62 =	vld [tilespmem:s21+$0xB500]  }
0x95: {  	v1 =	vadd.f32 v2, v1  }
0x96: {  	v2 =	vld [tilespmem:s21+$0xB580]  }
0x97: {  	v1 =	vadd.f32 v3, v1  }
0x98: {  	v3 =	vld [tilespmem:s21+$0xB600]  }
0x99: {  	v1 =	vadd.f32 v62, v1  }
0x9a: {  	v63 =	vld [tilespmem:s21+$0xB680]  }
0x9b: {  	v1 =	vadd.f32 v2, v1;
	_ =	sdelay $0x1  }
0x9c: {  	v1 =	vadd.f32 v3, v1;
	_ =	sdelay $0x1  }
0x9d: {  	s19 =	sadd.s32 $0x1, s19;
	v1 =	vadd.f32 v63, v1  }
0x9e: {  	s20 =	sadd.s32 $0x10, s20;
	p0 =	sne.s32 s19, s8  }
.Ltmp3:
0x9f: {  	[tilespmem:s20+$0x0] =	vst v1;
	(pc) =	sbr.rel @p0 .LBB2_1-.Ltmp3, $4  }
0xa0: {  	[hbm4b:s7+s9] =	stream.strided.scatter [tilespmem:s18], [sflag:$0x1], $0x280, s17, s9, $0x38;
	[tilespmem:$0xC980] =	vst v63  }
0xa1: {  	_ =	swait.ge [sflag:s11], $0x280  }
0xa2: {  	[sflag:s11] =	ssyncset.done $0x0  }
0xa3: {  	[sflag:s11] =	ssyncadd.s32 $0xFFFFFD80  }
0xa4: {  	_ =	sfence.sel $0x180000  }
0xa5: {  	[bflag:$0x0] =	sbarrier.arrive $0xFFFF  }
0xa6: {  	p0 =	sne.s32 s0, $0x0;
	_ =	strace $0x90000047  }
0xa7: {  	s0 =	sadd.s32 @!p0 $0x100000, s1;
	[bflag:$0x2] =	sbarrier.arrive $0xFFFF  }
0xa8: {  	[sflag:s0] =	ssyncadd.tile.s32 @!p0 $0x1;
	_ =	shalt  }
.Lfunc_end2:
_tile_overlayer_lowered:
.L_overlay_start_2:
0xa9: {  	(tag) =	ssettag $0x2  }
0xaa: {  	s0 =	rddreg [dreg:$0x0];
	s2 =	stileid.u32  }
0xab: {  	s1 =	rddreg [dreg:$0x1];
	p0 =	sne.s32 s2, $0x0  }
0xac: {  	s3 =	rddreg [dreg:$0x2];
	[bflag:$0x3] =	sbarrier.arrive $0xFFFF;
	s2 =	simm.s32 @!p0 $0x1C01  }
0xad: {  	[timem:s3], [sflag:s2] =	dma.local @!p0 [hbm:s0], s1  }
0xae: {  	s0 =	simm.s32 @!p0 $0x1  }
0xaf: {  	_ =	swait.ge @!p0 [sflag:s0], s1  }
0xb0: {  	s1 =	ssub.s32 @!p0 $0x0, s1;
	[sflag:s0] =	ssyncset.done @!p0 $0x0  }
0xb1: {  	[sflag:s0] =	ssyncadd.s32 @!p0 s1  }
0xb2: {  	[bflag:$0x3] =	sbarrier.arrive $0xFFFF  }
0xb3: {  	_ =	shalt  }

// kernel: kernel.9.cloned.1.call-start
scs
__scs_entry_jumppad:
0x0: {  	(pc) =	sbr.rel $0x88, $3  }
0x1: {  	(tag) =	ssettag $0x0;
	lr =	simm.s32 $0x1  }
0x2: {  	[smem:$0x3F9A] =	sst lr;
	_ =	strace $0xD0000000  }
0x3: {  	_ = 	snop  }
0x4: {  	_ = 	snop  }
0x5: {  	_ = 	snop  }
0x6: {  	_ = 	snop  }
0x7: {  	_ = 	snop  }
__scs_overlays_trampoline_lowered:
0x8: {  	[smem:$0x3FA9] =	sst s0  }
0x9: {  	[smem:$0x3FAA] =	sst s1  }
0xa: {  	[smem:$0x3FAB] =	sst s2  }
0xb: {  	[smem:$0x3FAC] =	sst s3  }
0xc: {  	[smem:$0x3FAD] =	sst s4  }
0xd: {  	[smem:$0x3FAE] =	sst s5  }
0xe: {  	[smem:$0x3FAF] =	sst s6  }
0xf: {  	[smem:$0x3FB0] =	sst s7  }
0x10: {  	[smem:$0x3FB1] =	sst s8  }
0x11: {  	[smem:$0x3FB2] =	sst s9;
	s0 =	simm.s32 @!p0 $0x0  }
0x12: {  	s1 =	sld [smem:$0x3F98];
	s0 =	simm.s32 @p0 $0x1  }
0x13: {  	[smem:$0x3FB3] =	sst s0;
	s0 =	simm.s32 @!p1 $0x0  }
0x14: {  	s2 =	sld [smem:$0x3F97];
	s0 =	simm.s32 @p1 $0x1  }
0x15: {  	[smem:$0x3FB4] =	sst s0;
	s0 =	simm.s32 @!p2 $0x0  }
0x16: {  	s3 =	sld [smem:$0x3FDB];
	s0 =	simm.s32 @p2 $0x1  }
0x17: {  	s4 =	simm.s32 $0x1BF5;
	[smem:$0x3FB6] =	sst s0  }
0x18: {  	s0 =	sld [smem:$0x3F99];
	_ =	swait.ge [sflag:s4], $0x0  }
0x19: {  	s7 =	sld [smem:$0x3F9A]  }
0x1a: {  	s8 =	sadd.s32 $0xFFFFE003, lr  }
0x1b: {  	s9 =	sadd.s32 $0xFFFFFEF7, lr;
	s5 =	simm.s32 $0xFFFFFFFF;
	p2 =	slt.u32 s8, $0xFFFFF086  }
0x1c: {  	p1 =	slt.u32 s9, $0xF7A;
	s5 =	simm.s32 @!p2 $0x0  }
0x1d: {  	s5 =	simm.s32 @p1 $0x1;
	p0 =	seq.s32 s7, s2  }
0x1e: {  	s7 =	smul.u32 @!p0 $0xF7A, s2;
	p2 =	seq.s32 @!p0 s5, $0x0  }
0x1f: {  	s9 =	smul.u32 $0xF7A, s1;
	s8 =	simm.s32 @!p0 $0x1BF5;
	p2 =	por !p2, p0  }
0x20: {  	[sflag:s8] =	ssyncset.s32 @!p0 $0xFFFFF086;
	s6 =	sadd.s32 @!p0 s3, s7;
	s7 =	simm.s32 @!p0 $0x108  }
0x21: {  	s3 =	sadd.s32 s3, s9;
	s6 =	sadd.s32 @!p0 $0x88, s6;
	s7 =	simm.s32 @p2 $0x1082  }
0x22: {  	[simem:s7], [sflag:s8] =	dma.local @!p0 [hbm:s6], $0xF7A  }
0x23: {  	s9 =	sor.u32 $0xD0000000, s2;
	s6 =	simm.s32 $0x108;
	_ =	swait.ge @!p0 [sflag:s8], $0x0  }
0x24: {  	s3 =	sadd.s32 $0x88, s3;
	s6 =	simm.s32 @!p1 $0x1082;
	[sflag:s4] =	ssyncset.s32 $0xFFFFF086  }
0x25: {  	[simem:s6], [sflag:s4] =	dma.local [hbm:s3], $0xF7A  }
0x26: {  	[smem:$0x3F9A] =	sst s1;
	(tag) =	ssettag s2;
	_ =	strace s9  }
0x27: {  	s1 =	sld [smem:$0x3FAA]  }
0x28: {  	s2 =	sld [smem:$0x3FAB]  }
0x29: {  	s4 =	sld [smem:$0x3FAD]  }
0x2a: {  	p0 =	seq.s32 s5, $0x0;
	s5 =	sld [smem:$0x3FAE]  }
0x2b: {  	s6 =	sld [smem:$0x3FAF]  }
0x2c: {  	s7 =	sld [smem:$0x3FB0]  }
0x2d: {  	s3 =	simm.s32 $0x108;
	s8 =	sld [smem:$0x3FB1]  }
0x2e: {  	s3 =	simm.s32 @!p0 $0x1082;
	s9 =	sld [smem:$0x3FB2]  }
0x2f: {  	lr =	sadd.s32 s0, s3;
	s0 =	sld [smem:$0x3FA9]  }
0x30: {  	s3 =	sld [smem:$0x3FAC]  }
0x31: {  	[smem:$0x3FB5] =	sst s10  }
0x32: {  	s10 =	sld [smem:$0x3FB3];
	_ =	sdelay $0x3  }
0x33: {  	p0 =	seq.s32 s10, $0x1;
	s10 =	sld [smem:$0x3FB5];
	_ =	sdelay $0x3  }
0x34: {  	[smem:$0x3FB5] =	sst s10  }
0x35: {  	s10 =	sld [smem:$0x3FB4];
	_ =	sdelay $0x3  }
0x36: {  	p1 =	seq.s32 s10, $0x1;
	s10 =	sld [smem:$0x3FB5];
	_ =	sdelay $0x3  }
0x37: {  	[smem:$0x3FB5] =	sst s10  }
0x38: {  	s10 =	sld [smem:$0x3FB6]  }
0x39: {  	_ = 	snop;
	(pc) =	sbr.ind lr, $3  }
0x3a: {  	_ = 	snop  }
0x3b: {  	_ = 	snop  }
0x3c: {  	p2 =	seq.s32 s10, $0x1;
	s10 =	sld [smem:$0x3FB5]  }
0x3d: {  	_ =	shalt  }
0x3e: {  	_ =	shalt  }
0x3f: {  	_ =	shalt  }
0x40: {  	_ =	shalt  }
0x41: {  	_ =	shalt  }
0x42: {  	_ =	shalt  }
0x43: {  	_ =	shalt  }
0x44: {  	_ =	shalt  }
0x45: {  	_ =	shalt  }
0x46: {  	_ =	shalt  }
0x47: {  	_ =	shalt  }
0x48: {  	_ =	shalt  }
0x49: {  	_ =	shalt  }
0x4a: {  	_ =	shalt  }
0x4b: {  	_ =	shalt  }
0x4c: {  	_ =	shalt  }
0x4d: {  	_ =	shalt  }
0x4e: {  	_ =	shalt  }
0x4f: {  	_ =	shalt  }
0x50: {  	_ =	shalt  }
0x51: {  	_ =	shalt  }
0x52: {  	_ =	shalt  }
0x53: {  	_ =	shalt  }
0x54: {  	_ =	shalt  }
0x55: {  	_ =	shalt  }
0x56: {  	_ =	shalt  }
0x57: {  	_ =	shalt  }
0x58: {  	_ =	shalt  }
0x59: {  	_ =	shalt  }
0x5a: {  	_ =	shalt  }
0x5b: {  	_ =	shalt  }
0x5c: {  	_ =	shalt  }
0x5d: {  	_ =	shalt  }
0x5e: {  	_ =	shalt  }
0x5f: {  	_ =	shalt  }
0x60: {  	_ =	shalt  }
0x61: {  	_ =	shalt  }
0x62: {  	_ =	shalt  }
0x63: {  	_ =	shalt  }
0x64: {  	_ =	shalt  }
0x65: {  	_ =	shalt  }
0x66: {  	_ =	shalt  }
0x67: {  	_ =	shalt  }
0x68: {  	_ =	shalt  }
0x69: {  	_ =	shalt  }
0x6a: {  	_ =	shalt  }
0x6b: {  	_ =	shalt  }
0x6c: {  	_ =	shalt  }
0x6d: {  	_ =	shalt  }
0x6e: {  	_ =	shalt  }
0x6f: {  	_ =	shalt  }
0x70: {  	_ =	shalt  }
0x71: {  	_ =	shalt  }
0x72: {  	_ =	shalt  }
0x73: {  	_ =	shalt  }
0x74: {  	_ =	shalt  }
0x75: {  	_ =	shalt  }
0x76: {  	_ =	shalt  }
0x77: {  	_ =	shalt  }
0x78: {  	_ =	shalt  }
0x79: {  	_ =	shalt  }
0x7a: {  	_ =	shalt  }
0x7b: {  	_ =	shalt  }
0x7c: {  	_ =	shalt  }
0x7d: {  	_ =	shalt  }
0x7e: {  	_ =	shalt  }
0x7f: {  	_ =	shalt  }
0x80: {  	_ =	shalt  }
0x81: {  	_ =	shalt  }
0x82: {  	_ =	shalt  }
0x83: {  	_ =	shalt  }
0x84: {  	_ =	shalt  }
0x85: {  	_ =	shalt  }
0x86: {  	_ =	shalt  }
0x87: {  	_ =	shalt  }
.Lfunc_end0:
.L_simem_size_0:
called_computation.1_lowered:
.L_overlay_start_0:
0x88: {  	s2 =	sld [smem:$0x3FD9]  }
0x89: {  	s3 =	sld [smem:$0x3FFE];
	_ =	sdelay $0x1  }
0x8a: {  	s1 =	srdreg.scid  }
0x8b: {  	s0 =	sand.u32 $0x1, s1  }
0x8c: {  	s17 =	sshll.u32 s0, $0xA;
	s2 =	sadd.s32 s3, s2  }
0x8d: {  	s2 =	sadd.s32 s2, s17  }
0x8e: {  	[smem:$0x3FC1] =	sst s2  }
0x8f: {  	_ = 	snop  }
0x90: {  	s2 =	sld [smem:$0x3FC7];
	(tm) =	ssettm $0x1  }
0x91: {  	s18 =	sld [smem:$0x3FFB];
	_ =	sdelay $0x3  }
0x92: {  	_ =	strace s18  }
0x93: {  	s3 =	sld [smem:$0x3FFC];
	_ =	sdelay $0x3  }
0x94: {  	_ =	strace s3  }
0x95: {  	s3 =	sld [smem:$0x3FFD];
	_ =	sdelay $0x3  }
0x96: {  	_ =	strace s3  }
0x97: {  	_ =	strace $0x8FFFFFFF  }
0x98: {  	s19 =	sld [smem:$0x3FDB];
	_ =	sdelay $0x1  }
0x99: {  	s4 =	simm.s32 $_scs_section_size  }
0x9a: {  	s5 =	simm.s32 $_size__tile_overlayer_lowered;
	s6 =	simm.s32 $_tile_overlayer_lowered  }
0x9b: {  	s22 =	simm.s32 $0x1BFF;
	s21 =	sshll.u32 s6, $0x1;
	s3 =	sadd.s32 s4, s19  }
0x9c: {  	s7 =	simm.s32 $0x0;
	s20 =	sshll.u32 s5, $0x1;
	s5 =	sadd.s32 s21, s3  }
0x9d: {  	[timem:s7], [sflag:s22] =	dma.local [hbm:s5], s20  }
0x9e: {  	_ =	swait.ge [sflag:s22], s20  }
0x9f: {  	s4 =	ssub.s32 $0x0, s20;
	[sflag:s22] =	ssyncset.done $0x0  }
0xa0: {  	[sflag:s22] =	ssyncadd.s32 s4;
	_ =	sdelay $0x1  }
0xa1: {  	s23 =	simm.s32 $0x1B8B  }
0xa2: {  	_ =	swait.ge [sflag:s23], $0x1  }
0xa3: {  	[sflag:s23] =	ssyncset.done $0x0  }
0xa4: {  	s25 =	simm.s32 $0x1B8E;
	s24 =	sld [smem:$0x3FFE];
	[sflag:s23] =	ssyncadd.s32 $0xFFFFFFFF  }
0xa5: {  	s26 =	simm.s32 $execute0_lowered;
	[smem:$0x3FD2] =	sst s25  }
0xa6: {  	s5 =	sshll.u32 s26, $0x1;
	_ =	strace $0x80000049;
	[dreg:$0x1] =	wrdreg $0xFFFFFFFF  }
0xa7: {  	s28 =	simm.s32 $_size_execute0_lowered;
	s3 =	sadd.s32 s3, s5;
	[dreg:$0x0] =	wrdreg $0x0  }
0xa8: {  	s5 =	sshll.u32 s28, $0x1;
	[dreg:$0x2] =	wrdreg s3  }
0xa9: {  	[dreg:$0x3] =	wrdreg s5  }
0xaa: {  	[dreg:$0x4] =	wrdreg $0xC0  }
0xab: {  	_ =	task [dreg:s7], $0x5FFFF  }
0xac: {  	[dreg:$0x1] =	wrdreg $0xFFFFFFFF  }
0xad: {  	[dreg:$0x0] =	wrdreg $0x60  }
0xae: {  	[dreg:$0x2] =	wrdreg s24  }
0xaf: {  	[dreg:$0x3] =	wrdreg s2  }
0xb0: {  	[dreg:$0x4] =	wrdreg $0x9  }
0xb1: {  	_ =	task.clear_ibuf [dreg:s7], $0x5FFFF;
	_ =	strace $0x90000049  }
0xb2: {  	s29 =	simm.s32 $0x9;
	_ =	strace $0x8000004B  }
0xb3: {  	_ =	swait.ge [sflag:s29], $0x1  }
0xb4: {  	[sflag:s29] =	ssyncadd.s32 $0xFFFFFFFF  }
0xb5: {  	_ =	strace $0x9000004B  }
0xb6: {  	_ =	sfence  }
0xb7: {  	s30 =	sld [smem:$0x0];
	_ =	sdelay $0x2  }
0xb8: {  	s31 =	sshll.u32 s1, $0xD;
	s1 =	sshrl.u32 s1, $0x2  }
0xb9: {  	s3 =	sand.u32 $0x4000, s31;
	s1 =	sadd.s32 s1, s30  }
0xba: {  	s0 =	sor.u32 s3, s0;
	s1 =	sshll.u32 s1, $0x11  }
0xbb: {  	s0 =	sor.u32 s1, s0  }
0xbc: {  	s0 =	sadd.s32 $0x8F2B, s0  }
0xbd: {  	[sflag:s0] =	ssyncadd.remote.s32 $0x1  }
0xbe: {  	_ =	sfence.sel $0xFFFF  }
0xbf: {  	[dreg:$0x0] =	wrdreg $0xFFFFFFFF;
	(pc) =	sbr.abs _section_cstart, $3  }
0xc0: {  	[dreg:$0x1] =	wrdreg $0xFFFFFFFF  }
0xc1: {  	_ =	task.clear_ibuf [dreg:s7], $0x2FFFF;
	_ =	strace $0x9FFFFFFF  }
0xc2: {  	(tm) =	ssettm $0x7FFFFFFF  }
0xc3: {  	_ =	shalt  }
tec
execute0_lowered:
.L_overlay_start_1:
0x0: {  	(tag) =	ssettag $0x1  }
0x1: {  	s0 =	srdreg.scid;
	s5 =	rddreg [dreg:$0x0]  }
0x2: {  	s7 =	rddreg [dreg:$0x1];
	s1 =	stileid.u32;
	s2 =	simm.s32 $0x0  }
0x3: {  	s12 =	simm.s32 $0x7800;
	s13 =	simm.s32 $0x9F80;
	s4 =	sand.u32 $0x1, s0  }
0x4: {  	s14 =	simm.s32 $0x5000;
	s15 =	simm.s32 $0xC700;
	s3 =	sshll.u32 s4, $0x4  }
0x5: {  	s16 =	simm.s32 $0x0;
	s0 =	rddreg [dreg:$0x2];
	s6 =	sor.u32 s1, s3  }
0x6: {  	[smem:$0x7FF] =	sst s2;
	s30 =	ssub.s32 $0x2, s4;
	s3 =	smul.u32 $0x140, s6  }
0x7: {  	_ =	strace $0x8000004A;
	s10 =	sshrl.u32 s30, $0x1;
	s8 =	smul.u32 $0x4E2, s6  }
0x8: {  	s4 =	sadd.s32 $0x15600, s5;
	s31 =	ssub.s32 s30, s10;
	s10 =	simm.s32 $0x1  }
0x9: {  	s9 =	sshrl.u32 s3, $0x3;
	s11 =	sadd.s32 s8, s5;
	s7 =	sadd.s32 s7, s8  }
0xa: {  	s5 =	sadd.s32 s9, s5;
	s6 =	sadd.s32 $0x1A00, s11;
	s8 =	sadd.s32 $0xB800, s11  }
0xb: {  	s9 =	smax.u32 s31, $0x1;
	s11 =	simm.s32 $0xEE80;
	s5 =	sadd.s32 $0x16000, s5  }
.LBB2_1:
0xc: {  	[tilespmem:s2], [sflag:$0x1] =	stream.linear.gather [hbm4b:s4+s2], $0x5000, $0x38;
	[tilespmem:$0xF000] =	vst v63  }
0xd: {  	_ =	swait.ge [sflag:s10], $0x5000  }
0xe: {  	s17 =	sand.u32 $0x70, s2;
	s18 =	sand.u32 $0x7F00, s2;
	[sflag:s10] =	ssyncset.done $0x0  }
0xf: {  	s17 =	sor.u32 s17, s18;
	[sflag:s10] =	ssyncadd.s32 $0xFFFFB000  }
0x10: {  	v0 =	vld [tilespmem:s17+$0x80]  }
0x11: {  	v1 =	vld [tilespmem:s17+$0x0];
	_ =	sdelay $0x4  }
0x12: {  	v0 =	vadd.f32 v0, v1;
	_ =	sdelay $0x1  }
0x13: {  	v0 =	vadd.f32 $1.000000000e+00, v0;
	_ =	sdelay $0x1  }
0x14: {  	v63 =	vshra.s32 v0, $0x1;
	v0 =	vmul.f32 $5.000000000e-01, v0  }
0x15: {  	v1 =	vsub.s32 $0x5F3759DF, v63  }
0x16: {  	v2 =	vmul.f32 v1, v0;
	_ =	sdelay $0x1  }
0x17: {  	v2 =	vmul.f32 v1, v2;
	_ =	sdelay $0x1  }
0x18: {  	v2 =	vsub.f32 $1.500000000e+00, v2;
	_ =	sdelay $0x1  }
0x19: {  	v1 =	vmul.f32 v1, v2;
	_ =	sdelay $0x1  }
0x1a: {  	v2 =	vmul.f32 v1, v0;
	_ =	sdelay $0x1  }
0x1b: {  	v2 =	vmul.f32 v2, v1;
	_ =	sdelay $0x1  }
0x1c: {  	v2 =	vsub.f32 $1.500000000e+00, v2;
	_ =	sdelay $0x1  }
0x1d: {  	v1 =	vmul.f32 v2, v1;
	_ =	sdelay $0x1  }
0x1e: {  	v0 =	vmul.f32 v1, v0;
	_ =	sdelay $0x1  }
0x1f: {  	v0 =	vmul.f32 v0, v1;
	_ =	sdelay $0x1  }
0x20: {  	v0 =	vsub.f32 $1.500000000e+00, v0;
	_ =	sdelay $0x1  }
0x21: {  	v0 =	vmul.f32 v0, v1  }
0x22: {  	s31 =	simm.s32 $0x10;
	s18 =	simm.s32 $0x20  }
0x23: {  	s19 =	sand.u32 $0x7F00, s18;
	s17 =	sand.u32 $0x70, s31;
	v0 =	vmin.f32 v0, $1.000000000e+04  }
0x24: {  	s20 =	sor.u32 s17, s19;
	s19 =	simm.s32 $0x20;
	s17 =	simm.s32 $0x5000;
	[tilespmem:s14+$0x0] =	vst v0  }
.LBB2_2:
0x25: {  	p0 =	sne.s32 s19, $0x27F0;
	v0 =	vld [tilespmem:s20+$0x80]  }
0x26: {  	v1 =	vld [tilespmem:s20+$0x0];
	_ =	sdelay $0x4  }
0x27: {  	v0 =	vadd.f32 v0, v1;
	_ =	sdelay $0x1  }
0x28: {  	v0 =	vadd.f32 $1.000000000e+00, v0;
	_ =	sdelay $0x1  }
0x29: {  	v1 =	vshra.s32 v0, $0x1;
	v0 =	vmul.f32 $5.000000000e-01, v0  }
0x2a: {  	v1 =	vsub.s32 $0x5F3759DF, v1  }
0x2b: {  	v2 =	vmul.f32 v1, v0;
	_ =	sdelay $0x1  }
0x2c: {  	v2 =	vmul.f32 v1, v2;
	_ =	sdelay $0x1  }
0x2d: {  	v2 =	vsub.f32 $1.500000000e+00, v2;
	_ =	sdelay $0x1  }
0x2e: {  	v1 =	vmul.f32 v1, v2;
	_ =	sdelay $0x1  }
0x2f: {  	v2 =	vmul.f32 v1, v0;
	_ =	sdelay $0x1  }
0x30: {  	v2 =	vmul.f32 v2, v1;
	_ =	sdelay $0x1  }
0x31: {  	v2 =	vsub.f32 $1.500000000e+00, v2;
	_ =	sdelay $0x1  }
0x32: {  	v1 =	vmul.f32 v2, v1;
	_ =	sdelay $0x1  }
0x33: {  	v0 =	vmul.f32 v1, v0;
	_ =	sdelay $0x1  }
0x34: {  	v0 =	vmul.f32 v0, v1;
	_ =	sdelay $0x1  }
0x35: {  	v0 =	vsub.f32 $1.500000000e+00, v0  }
.Ltmp0:
0x36: {  	(pc) =	sbr.rel @p0 .LBB2_2-.Ltmp0, $4  }
0x37: {  	v0 =	vmul.f32 v0, v1  }
0x38: {  	s18 =	sadd.s32 $0x20, s18  }
0x39: {  	s17 =	sadd.s32 $0x10, s17;
	s20 =	sand.u32 $0x70, s19;
	s21 =	sand.u32 $0x7F00, s18;
	v0 =	vmin.f32 v0, $1.000000000e+04  }
0x3a: {  	s19 =	sadd.s32 $0x10, s19;
	s20 =	sor.u32 s20, s21;
	[tilespmem:s17+$0x0] =	vst v0  }
0x3b: {  	v0 =	vld [tilespmem:s20+$0x80]  }
0x3c: {  	v1 =	vld [tilespmem:s20+$0x0];
	_ =	sdelay $0x4  }
0x3d: {  	v0 =	vadd.f32 v0, v1;
	_ =	sdelay $0x1  }
0x3e: {  	v0 =	vadd.f32 $1.000000000e+00, v0;
	_ =	sdelay $0x1  }
0x3f: {  	v63 =	vshra.s32 v0, $0x1;
	v0 =	vmul.f32 $5.000000000e-01, v0  }
0x40: {  	v1 =	vsub.s32 $0x5F3759DF, v63  }
0x41: {  	v2 =	vmul.f32 v1, v0;
	_ =	sdelay $0x1  }
0x42: {  	v2 =	vmul.f32 v1, v2;
	_ =	sdelay $0x1  }
0x43: {  	v2 =	vsub.f32 $1.500000000e+00, v2;
	_ =	sdelay $0x1  }
0x44: {  	v1 =	vmul.f32 v1, v2;
	_ =	sdelay $0x1  }
0x45: {  	v2 =	vmul.f32 v1, v0;
	_ =	sdelay $0x1  }
0x46: {  	v2 =	vmul.f32 v2, v1;
	_ =	sdelay $0x1  }
0x47: {  	v2 =	vsub.f32 $1.500000000e+00, v2;
	_ =	sdelay $0x1  }
0x48: {  	v1 =	vmul.f32 v2, v1;
	_ =	sdelay $0x1  }
0x49: {  	v0 =	vmul.f32 v1, v0;
	_ =	sdelay $0x1  }
0x4a: {  	v0 =	vmul.f32 v0, v1;
	_ =	sdelay $0x1  }
0x4b: {  	v0 =	vsub.f32 $1.500000000e+00, v0;
	_ =	sdelay $0x1  }
0x4c: {  	v0 =	vmul.f32 v0, v1;
	_ =	sdelay $0x1  }
0x4d: {  	s17 =	sadd.s32 $0x10, s17;
	v0 =	vmin.f32 v0, $1.000000000e+04  }
0x4e: {  	[tilespmem:s17+$0x0] =	vst v0  }
0x4f: {  	v0 =	vld [tilespmem:s3+$0x5000];
	_ =	sdelay $0x4  }
0x50: {  	v0 =	vmul.f32 v0, v0;
	_ =	sdelay $0x1  }
0x51: {  	[tilespmem:$0xEE80] =	vst v0  }
0x52: {  	v0 =	vld [tilespmem:s3+$0x5010];
	_ =	sdelay $0x4  }
0x53: {  	v0 =	vmul.f32 v0, v0;
	_ =	sdelay $0x1  }
0x54: {  	[tilespmem:$0xEE90] =	vst v0  }
0x55: {  	v0 =	vld [tilespmem:s3+$0x5020];
	_ =	sdelay $0x4  }
0x56: {  	v0 =	vmul.f32 v0, v0;
	_ =	sdelay $0x1  }
0x57: {  	[tilespmem:$0xEEA0] =	vst v0  }
0x58: {  	v0 =	vld [tilespmem:s3+$0x5030];
	_ =	sdelay $0x4  }
0x59: {  	v0 =	vmul.f32 v0, v0;
	_ =	sdelay $0x1  }
0x5a: {  	[tilespmem:$0xEEB0] =	vst v0  }
0x5b: {  	v0 =	vld [tilespmem:s3+$0x5040];
	_ =	sdelay $0x4  }
0x5c: {  	v0 =	vmul.f32 v0, v0;
	_ =	sdelay $0x1  }
0x5d: {  	[tilespmem:$0xEEC0] =	vst v0  }
0x5e: {  	v0 =	vld [tilespmem:s3+$0x5050];
	_ =	sdelay $0x4  }
0x5f: {  	v0 =	vmul.f32 v0, v0;
	_ =	sdelay $0x1  }
0x60: {  	[tilespmem:$0xEED0] =	vst v0  }
0x61: {  	v0 =	vld [tilespmem:s3+$0x5060];
	_ =	sdelay $0x4  }
0x62: {  	v0 =	vmul.f32 v0, v0;
	_ =	sdelay $0x1  }
0x63: {  	[tilespmem:$0xEEE0] =	vst v0  }
0x64: {  	v0 =	vld [tilespmem:s3+$0x5070];
	_ =	sdelay $0x4  }
0x65: {  	v0 =	vmul.f32 v0, v0;
	_ =	sdelay $0x1  }
0x66: {  	[tilespmem:$0xEEF0] =	vst v0  }
0x67: {  	v0 =	vld [tilespmem:s3+$0x5080];
	_ =	sdelay $0x4  }
0x68: {  	v0 =	vmul.f32 v0, v0;
	_ =	sdelay $0x1  }
0x69: {  	[tilespmem:$0xEF00] =	vst v0  }
0x6a: {  	v0 =	vld [tilespmem:s3+$0x5090];
	_ =	sdelay $0x4  }
0x6b: {  	v0 =	vmul.f32 v0, v0;
	_ =	sdelay $0x1  }
0x6c: {  	[tilespmem:$0xEF10] =	vst v0  }
0x6d: {  	v0 =	vld [tilespmem:s3+$0x50A0];
	_ =	sdelay $0x4  }
0x6e: {  	v0 =	vmul.f32 v0, v0;
	_ =	sdelay $0x1  }
0x6f: {  	[tilespmem:$0xEF20] =	vst v0  }
0x70: {  	v0 =	vld [tilespmem:s3+$0x50B0];
	_ =	sdelay $0x4  }
0x71: {  	v0 =	vmul.f32 v0, v0;
	_ =	sdelay $0x1  }
0x72: {  	[tilespmem:$0xEF30] =	vst v0  }
0x73: {  	v0 =	vld [tilespmem:s3+$0x50C0];
	_ =	sdelay $0x4  }
0x74: {  	v0 =	vmul.f32 v0, v0;
	_ =	sdelay $0x1  }
0x75: {  	[tilespmem:$0xEF40] =	vst v0  }
0x76: {  	v0 =	vld [tilespmem:s3+$0x50D0];
	_ =	sdelay $0x4  }
0x77: {  	v0 =	vmul.f32 v0, v0;
	_ =	sdelay $0x1  }
0x78: {  	[tilespmem:$0xEF50] =	vst v0  }
0x79: {  	v0 =	vld [tilespmem:s3+$0x50E0];
	_ =	sdelay $0x4  }
0x7a: {  	v0 =	vmul.f32 v0, v0;
	_ =	sdelay $0x1  }
0x7b: {  	[tilespmem:$0xEF60] =	vst v0  }
0x7c: {  	v0 =	vld [tilespmem:s3+$0x50F0];
	_ =	sdelay $0x4  }
0x7d: {  	v0 =	vmul.f32 v0, v0;
	_ =	sdelay $0x1  }
0x7e: {  	[tilespmem:$0xEF70] =	vst v0  }
0x7f: {  	v0 =	vld [tilespmem:s3+$0x5100];
	_ =	sdelay $0x4  }
0x80: {  	v0 =	vmul.f32 v0, v0;
	_ =	sdelay $0x1  }
0x81: {  	[tilespmem:$0xEF80] =	vst v0  }
0x82: {  	v0 =	vld [tilespmem:s3+$0x5110];
	_ =	sdelay $0x4  }
0x83: {  	v0 =	vmul.f32 v0, v0;
	_ =	sdelay $0x1  }
0x84: {  	[tilespmem:$0xEF90] =	vst v0  }
0x85: {  	v0 =	vld [tilespmem:s3+$0x5120];
	_ =	sdelay $0x4  }
0x86: {  	v0 =	vmul.f32 v0, v0;
	_ =	sdelay $0x1  }
0x87: {  	[tilespmem:$0xEFA0] =	vst v0  }
0x88: {  	v0 =	vld [tilespmem:s3+$0x5130];
	_ =	sdelay $0x4  }
0x89: {  	v0 =	vmul.f32 v0, v0;
	_ =	sdelay $0x1  }
0x8a: {  	[tilespmem:$0xEFB0] =	vst v0  }
0x8b: {  	[hbm4b:s5+s2] =	stream.linear.scatter [tilespmem:s11], [sflag:$0x1], $0x140, $0x38;
	[tilespmem:$0xF000] =	vst v63  }
0x8c: {  	_ =	swait.ge [sflag:s10], $0x140  }
0x8d: {  	[sflag:s10] =	ssyncset.done $0x0  }
0x8e: {  	[sflag:s10] =	ssyncadd.s32 $0xFFFFFEC0  }
0x8f: {  	[tilespmem:s12], [sflag:$0x1] =	stream.linear.gather [hbm4b:s6+s2], $0x2710, $0x38;
	[tilespmem:$0xF000] =	vst v63  }
0x90: {  	_ =	swait.ge [sflag:s10], $0x2710  }
0x91: {  	[sflag:s10] =	ssyncset.done $0x0  }
0x92: {  	[sflag:s10] =	ssyncadd.s32 $0xFFFFD8F0  }
0x93: {  	[tilespmem:s13], [sflag:$0x1] =	stream.linear.gather [hbm4b:s7+s2], $0x2710, $0x38;
	[tilespmem:$0xF000] =	vst v63  }
0x94: {  	_ =	swait.ge [sflag:s10], $0x2710  }
0x95: {  	s18 =	simm.s32 $0xC720;
	s19 =	simm.s32 $0x9FA0;
	[sflag:s10] =	ssyncset.done $0x0  }
0x96: {  	s20 =	simm.s32 $0x7820;
	s17 =	simm.s32 $0xFFFFFFFC;
	[sflag:s10] =	ssyncadd.s32 $0xFFFFD8F0  }
.LBB2_4:
0x97: {  	v0 =	vld [tilespmem:s20+$0xFFFFFFE0];
	_ =	sdelay $0x4  }
0x98: {  	v1 =	vand.u32 $0x3FFF, v0;
	_ =	sdelay $0x1  }
0x99: {  	v0 =	vshrl.u32 v0, $0xE;
	_ =	sdelay $0x1  }
0x9a: {  	v2 =	vld [tilespmem:s19+$0xFFFFFFE0]  }
0x9b: {  	v1 =	vld.idx.msk [tilespmem:v1+s14+$0x0], $0xffff;
	_ =	sdelay $0x1  }
0x9c: {  	v0 =	vld.idx.msk [tilespmem:v0+s14+$0x0], $0xffff;
	_ =	sdelay $0x2  }
0x9d: {  	v1 =	vmul.f32 v2, v1;
	_ =	sdelay $0x1  }
0x9e: {  	v0 =	vmul.f32 v0, v1;
	_ =	sdelay $0x1  }
0x9f: {  	[tilespmem:s18+$0xFFFFFFE0] =	vst v0  }
0xa0: {  	v0 =	vld [tilespmem:s20+$0xFFFFFFF0];
	_ =	sdelay $0x4  }
0xa1: {  	v58 =	vand.u32 $0x3FFF, v0;
	_ =	sdelay $0x1  }
0xa2: {  	v0 =	vshrl.u32 v0, $0xE;
	_ =	sdelay $0x1  }
0xa3: {  	v59 =	vld [tilespmem:s19+$0xFFFFFFF0]  }
0xa4: {  	v1 =	vld.idx.msk [tilespmem:v58+s14+$0x0], $0xffff;
	_ =	sdelay $0x1  }
0xa5: {  	v0 =	vld.idx.msk [tilespmem:v0+s14+$0x0], $0xffff;
	_ =	sdelay $0x2  }
0xa6: {  	v1 =	vmul.f32 v59, v1;
	_ =	sdelay $0x1  }
0xa7: {  	v0 =	vmul.f32 v0, v1;
	_ =	sdelay $0x1  }
0xa8: {  	[tilespmem:s18+$0xFFFFFFF0] =	vst v0  }
0xa9: {  	v0 =	vld [tilespmem:s20+$0x0];
	_ =	sdelay $0x4  }
0xaa: {  	v60 =	vand.u32 $0x3FFF, v0;
	_ =	sdelay $0x1  }
0xab: {  	v0 =	vshrl.u32 v0, $0xE;
	_ =	sdelay $0x1  }
0xac: {  	v61 =	vld [tilespmem:s19+$0x0]  }
0xad: {  	v1 =	vld.idx.msk [tilespmem:v60+s14+$0x0], $0xffff;
	_ =	sdelay $0x1  }
0xae: {  	v0 =	vld.idx.msk [tilespmem:v0+s14+$0x0], $0xffff;
	_ =	sdelay $0x2  }
0xaf: {  	v1 =	vmul.f32 v61, v1;
	_ =	sdelay $0x1  }
0xb0: {  	v0 =	vmul.f32 v0, v1;
	_ =	sdelay $0x1  }
0xb1: {  	[tilespmem:s18+$0x0] =	vst v0  }
0xb2: {  	v0 =	vld [tilespmem:s20+$0x10];
	_ =	sdelay $0x4  }
0xb3: {  	v62 =	vand.u32 $0x3FFF, v0;
	_ =	sdelay $0x1  }
0xb4: {  	v0 =	vshrl.u32 v0, $0xE;
	_ =	sdelay $0x1  }
0xb5: {  	v63 =	vld [tilespmem:s19+$0x10]  }
0xb6: {  	v1 =	vld.idx.msk [tilespmem:v62+s14+$0x0], $0xffff;
	_ =	sdelay $0x1  }
0xb7: {  	v0 =	vld.idx.msk [tilespmem:v0+s14+$0x0], $0xffff  }
0xb8: {  	s17 =	sadd.s32 $0x4, s17  }
0xb9: {  	p0 =	slt.u32 s17, $0x26C  }
.Ltmp1:
0xba: {  	v1 =	vmul.f32 v63, v1;
	(pc) =	sbr.rel @p0 .LBB2_4-.Ltmp1, $3  }
0xbb: {  	_ = 	snop  }
0xbc: {  	v0 =	vmul.f32 v0, v1;
	_ =	sdelay $0x1  }
0xbd: {  	s19 =	sadd.s32 $0x40, s19;
	s20 =	sadd.s32 $0x40, s20;
	[tilespmem:s18+$0x10] =	vst v0;
	s18 =	sadd.s32 $0x40, s18  }
0xbe: {  	v0 =	vld [tilespmem:$0x9F00];
	_ =	sdelay $0x4  }
0xbf: {  	v1 =	vand.u32 $0x3FFF, v0;
	_ =	sdelay $0x1  }
0xc0: {  	v0 =	vshrl.u32 v0, $0xE;
	_ =	sdelay $0x1  }
0xc1: {  	v2 =	vld [tilespmem:$0xC680]  }
0xc2: {  	v1 =	vld.idx.msk [tilespmem:v1+s14+$0x0], $0xffff;
	_ =	sdelay $0x1  }
0xc3: {  	v0 =	vld.idx.msk [tilespmem:v0+s14+$0x0], $0xffff;
	_ =	sdelay $0x2  }
0xc4: {  	v1 =	vmul.f32 v2, v1;
	_ =	sdelay $0x1  }
0xc5: {  	s16 =	sadd.s32 $0x1, s16;
	v0 =	vmul.f32 v0, v1  }
0xc6: {  	p0 =	sne.s32 s16, s9  }
.Ltmp2:
0xc7: {  	[tilespmem:$0xEE00] =	vst v0;
	(pc) =	sbr.rel @p0 .LBB2_1-.Ltmp2, $4  }
0xc8: {  	[hbm4b:s8+s2] =	stream.linear.scatter [tilespmem:s15], [sflag:$0x1], $0x2710, $0x38;
	[tilespmem:$0xF000] =	vst v63  }
0xc9: {  	_ =	swait.ge [sflag:s10], $0x2710  }
0xca: {  	[sflag:s10] =	ssyncset.done $0x0  }
0xcb: {  	[sflag:s10] =	ssyncadd.s32 $0xFFFFD8F0  }
0xcc: {  	_ =	sfence.sel $0x180000  }
0xcd: {  	[bflag:$0x0] =	sbarrier.arrive $0xFFFF  }
0xce: {  	p0 =	sne.s32 s1, $0x0;
	_ =	strace $0x9000004A  }
0xcf: {  	s0 =	sadd.s32 @!p0 $0x100000, s0;
	[bflag:$0x2] =	sbarrier.arrive $0xFFFF  }
0xd0: {  	[sflag:s0] =	ssyncadd.tile.s32 @!p0 $0x1;
	_ =	shalt  }
.Lfunc_end2:
_tile_overlayer_lowered:
.L_overlay_start_2:
0xd1: {  	(tag) =	ssettag $0x2  }
0xd2: {  	s0 =	rddreg [dreg:$0x0];
	s2 =	stileid.u32  }
0xd3: {  	s1 =	rddreg [dreg:$0x1];
	p0 =	sne.s32 s2, $0x0  }
0xd4: {  	s3 =	rddreg [dreg:$0x2];
	[bflag:$0x3] =	sbarrier.arrive $0xFFFF;
	s2 =	simm.s32 @!p0 $0x1C01  }
0xd5: {  	[timem:s3], [sflag:s2] =	dma.local @!p0 [hbm:s0], s1  }
0xd6: {  	s0 =	simm.s32 @!p0 $0x1  }
0xd7: {  	_ =	swait.ge @!p0 [sflag:s0], s1  }
0xd8: {  	s1 =	ssub.s32 @!p0 $0x0, s1;
	[sflag:s0] =	ssyncset.done @!p0 $0x0  }
0xd9: {  	[sflag:s0] =	ssyncadd.s32 @!p0 s1  }
0xda: {  	[bflag:$0x3] =	sbarrier.arrive $0xFFFF  }
0xdb: {  	_ =	shalt  }

</sc_bundles>
